<compile_context>
chip_gen: v7x
topology: tpu7x:2x2x1
jax: 0.10.2.dev20260603
libtpu: 0.0.44.dev20260713+nightly
codegen_flags: <defaults>
</compile_context>

<pallas_src>
import functools

import jax
import jax.numpy as jnp
from jax.experimental import pallas as pl
from jax.experimental.pallas import tpu as pltpu
from jax.experimental.pallas import tpu_sc as plsc

E = 8
K = 2
D = 1024
F = 4096
T = 2048
S = T * K
BM = 512
P = S + E * BM
NB = P // BM


BF = 2048
NF = F // BF


def _ffn_body(be_ref, ba_ref, fm_ref, bm_ref, sel_ref, x_ref, w1_ref, w2_ref,
              y_ref, loads_ref):
    b = pl.program_id(0)
    f = pl.program_id(1)

    @pl.when((b == 0) & (f == 0))
    def _():
        sel = sel_ref[...]
        ee = jax.lax.broadcasted_iota(jnp.int32, (E, 32, 128), 0)
        cnt = jnp.sum((sel[None] == ee).astype(jnp.float32), axis=(1, 2))
        loads_ref[...] = (cnt / T)[None]

    @pl.when(ba_ref[b] > 0)
    def _():
        x = x_ref[...].astype(jnp.bfloat16)
        w1 = w1_ref[0].astype(jnp.bfloat16)
        h = jax.lax.dot_general(x, w1, (((1,), (1,)), ((), ())),
                                preferred_element_type=jnp.float32)
        h = 0.5 * h * (1.0 + jax.lax.erf(h * 0.7071067811865476))
        w2 = w2_ref[0].astype(jnp.bfloat16)
        yp = jax.lax.dot_general(h.astype(jnp.bfloat16), w2,
                                 (((1,), (1,)), ((), ())),
                                 preferred_element_type=jnp.float32)

        @pl.when(f == 0)
        def _():
            y_ref[...] = yp

        @pl.when(f > 0)
        def _():
            y_ref[...] += yp


def _grouped_ffn(block_expert, block_active, fmap, bmap, sel2d, x_padded,
                 W1, W2):
    grid_spec = pltpu.PrefetchScalarGridSpec(
        num_scalar_prefetch=4,
        grid=(NB, NF),
        in_specs=[
            pl.BlockSpec((32, 128), lambda b, f, be, ba, fm, bm: (0, 0)),
            pl.BlockSpec((BM, D), lambda b, f, be, ba, fm, bm: (bm[b], 0)),
            pl.BlockSpec((1, BF, D),
                         lambda b, f, be, ba, fm, bm: (be[b], fm[b, f], 0)),
            pl.BlockSpec((1, D, BF),
                         lambda b, f, be, ba, fm, bm: (be[b], 0, fm[b, f])),
        ],
        out_specs=[
            pl.BlockSpec((BM, D), lambda b, f, be, ba, fm, bm: (bm[b], 0)),
            pl.BlockSpec((1, E), lambda b, f, be, ba, fm, bm: (0, 0)),
        ],
    )
    return pl.pallas_call(
        _ffn_body,
        grid_spec=grid_spec,
        out_shape=[
            jax.ShapeDtypeStruct((P, D), jnp.float32),
            jax.ShapeDtypeStruct((1, E), jnp.float32),
        ],
        compiler_params=pltpu.CompilerParams(
            dimension_semantics=("arbitrary", "arbitrary"),
            vmem_limit_bytes=60 * 1024 * 1024,
        ),
    )(block_expert, block_active, fmap, bmap, sel2d, x_padded, W1, W2)


def _sc_row_gather(table, idx, n_out, n_active=None):
    info = plsc.get_sparse_core_info()
    nc, ns = info.num_cores, info.num_subcores
    nw = nc * ns
    per_w = n_out // nw
    ch = next(c for c in (48, 32, 16, 8) if per_w % c == 0)
    n_ch = per_w // ch
    mesh = plsc.VectorSubcoreMesh(core_axis_name="c", subcore_axis_name="s")
    if n_active is None:
        n_active = jnp.full((8,), n_out, jnp.int32)

    @functools.partial(
        pl.kernel, mesh=mesh,
        out_type=jax.ShapeDtypeStruct((n_out, D), jnp.float32),
        scratch_types=[
            pltpu.VMEM((8,), jnp.int32),
            pltpu.VMEM((per_w,), jnp.int32),
            pltpu.VMEM((ch, D), jnp.float32),
            pltpu.VMEM((ch, D), jnp.float32),
            pltpu.SemaphoreType.DMA,
            pltpu.SemaphoreType.DMA,
            pltpu.SemaphoreType.DMA,
            pltpu.SemaphoreType.DMA,
        ],
    )
    def k(table_hbm, idx_hbm, nact_hbm, out_hbm, nact_v, idx_v, rows0, rows1,
          gsem0, gsem1, wsem0, wsem1):
        wid = jax.lax.axis_index("s") * nc + jax.lax.axis_index("c")
        base = wid * per_w
        pltpu.sync_copy(nact_hbm, nact_v)
        nv = nact_v[pl.ds(0, 8)]

        @pl.when(base < nv[0])
        def _():
            rows = (rows0, rows1)
            gsems = (gsem0, gsem1)
            wsems = (wsem0, wsem1)
            pltpu.sync_copy(idx_hbm.at[pl.ds(base, per_w)], idx_v)
            g = [None] * n_ch
            w = [None] * n_ch
            g[0] = pltpu.async_copy(
                table_hbm.at[idx_v.at[pl.ds(0, ch)]], rows0, gsem0)
            for c in range(n_ch):
                b = c % 2
                nb = (c + 1) % 2
                if c + 1 < n_ch:
                    if c >= 1:
                        w[c - 1].wait()
                    g[c + 1] = pltpu.async_copy(
                        table_hbm.at[idx_v.at[pl.ds((c + 1) * ch, ch)]],
                        rows[nb], gsems[nb])
                g[c].wait()
                w[c] = pltpu.async_copy(
                    rows[b], out_hbm.at[pl.ds(base + c * ch, ch)], wsems[b])
            if n_ch >= 2:
                w[n_ch - 2].wait()
            w[n_ch - 1].wait()

    return k(table, idx, n_active)


def kernel(hidden_states, selected_experts, expert_masks, W1, W2):
    sel = selected_experts.astype(jnp.int32)
    sel_flat = sel.reshape(-1)

    oh = (jnp.arange(E, dtype=jnp.int32)[:, None] == sel_flat[None, :])
    ohi = oh.astype(jnp.int32)
    counts = jnp.sum(ohi, axis=1)
    rank_all = jnp.cumsum(ohi, axis=1) - 1
    pc = (counts + BM - 1) // BM
    cb = jnp.cumsum(pc)
    bstart = (cb - pc) * BM
    slot_pos = jnp.sum(jnp.where(oh, rank_all + bstart[:, None], 0),
                       axis=0).astype(jnp.int32)
    tok_of_slot = (jnp.arange(S, dtype=jnp.int32) // K)
    gather_tok = (jnp.arange(P, dtype=jnp.int32) % T).at[slot_pos].set(tok_of_slot)
    bids = jnp.arange(NB, dtype=jnp.int32)
    lab = cb[E - 1] - 1
    bmap = jnp.minimum(bids, lab).astype(jnp.int32)
    block_expert = jnp.searchsorted(cb, bmap, side="right").astype(jnp.int32)
    block_active = (bids < cb[E - 1]).astype(jnp.int32)
    ftiles = jnp.arange(NF, dtype=jnp.int32)
    pp = jnp.where((bids[:, None] % 2) == 0, ftiles[None, :],
                   NF - 1 - ftiles[None, :])
    frozen = jnp.where(lab % 2 == 0, NF - 1, 0)
    fmap = jnp.where((bids <= lab)[:, None], pp, frozen).astype(jnp.int32)

    n_active = jnp.full((8,), cb[E - 1] * BM, jnp.int32)
    x_padded = _sc_row_gather(hidden_states, gather_tok, P, n_active)
    y_padded, loads2d = _grouped_ffn(
        block_expert, block_active, fmap, bmap, sel.reshape(32, 128),
        x_padded, W1, W2)
    expert_outputs = _sc_row_gather(y_padded, slot_pos, S).reshape(T, K, D)
    return expert_outputs, loads2d[0]

# --- scband reference (transcript-rebuilt; emitter-appended) ---
"""Pipeline reference for scband-expert-bank-87428354277650 (READ-ONLY COPY).

The authoritative reference and input builder live on the scoring server;
editing this copy changes nothing except your own understanding.
"""

import jax, jax.numpy as jnp
import numpy as np

E = 8
K = 2
D = 1024
F = 4096
T = 2048


def setup_inputs(seed: int = 0) -> dict:
    key = jax.random.key(seed)
    k1, k2, k3, k4 = jax.random.split(key, 4)
    hidden_states = jax.random.normal(k1, (T, D), dtype=jnp.float32)
    selected_experts = jax.random.randint(k2, (T, K), 0, E, dtype=jnp.int64 if jax.config.jax_enable_x64 else jnp.int32)
    # expert_masks: 1/k_active on selected experts, 0 elsewhere (unused by forward math, kept for signature fidelity)
    one_hot = jax.nn.one_hot(selected_experts, E, dtype=jnp.float32).sum(axis=1)
    expert_masks = jnp.clip(one_hot, 0.0, 1.0) / float(K)
    # torch nn.Linear stores weight as [out_features, in_features]; xavier_uniform bound = sqrt(6/(fan_in+fan_out))
    bound = float(np.sqrt(6.0 / (D + F)))
    W1 = jax.random.uniform(k3, (E, F, D), minval=-bound, maxval=bound, dtype=jnp.float32)
    W2 = jax.random.uniform(k4, (E, D, F), minval=-bound, maxval=bound, dtype=jnp.float32)
    return {"hidden_states": hidden_states, "selected_experts": selected_experts, "expert_masks": expert_masks, "W1": W1, "W2": W2}


def reference(hidden_states, selected_experts, expert_masks, W1, W2):
    # Each expert e computes y_e = GELU(x @ W1[e]^T) @ W2[e]^T row-wise; the
    # original torch loop only evaluates each expert on the tokens routed to it,
    # which is mathematically identical to evaluating all experts densely and
    # gathering the selected (expert, token) pairs.
    n_tokens = hidden_states.shape[0]
    h = jax.nn.gelu(jnp.einsum('td,efd->etf', hidden_states, W1), approximate=False)
    y = jnp.einsum('etf,edf->etd', h, W2)  # [E, T, D]
    t_idx = jnp.arange(n_tokens)
    expert_outputs = y[selected_experts, t_idx[:, None], :]  # [T, K, D]
    # expert_loads[e] = (# of (token, k) slots routed to e) / n_tokens
    expert_loads = jnp.bincount(selected_experts.reshape(-1), length=E).astype(jnp.float32) / float(n_tokens)
    return expert_outputs, expert_loads

if __name__ == "__main__":
    import jax
    _d = setup_inputs()
    print(jax.jit(kernel)(*tuple(_d.values())))

</pallas_src>

<mosaic_0001>
#map = affine_map<(d0, d1) -> (0, 0)>
#map1 = affine_map<(d0, d1) -> (0)>
module attributes {stable_mosaic.version = 14 : i64} {
  func.func @k(%arg0: i32, %arg1: i32, %arg2: memref<2048x1024xf32, #tpu.memory_space<hbm>>, %arg3: memref<8192xi32, #tpu.memory_space<hbm>>, %arg4: memref<8xi32, #tpu.memory_space<hbm>>, %arg5: memref<8192x1024xf32, #tpu.memory_space<hbm>>, %arg6: memref<8xi32, #tpu.memory_space<vmem>>, %arg7: memref<256xi32, #tpu.memory_space<vmem>>, %arg8: memref<32x1024xf32, #tpu.memory_space<vmem>>, %arg9: memref<32x1024xf32, #tpu.memory_space<vmem>>, %arg10: memref<!tpu.dma_semaphore, #tpu.memory_space<semaphore_mem>>, %arg11: memref<!tpu.dma_semaphore, #tpu.memory_space<semaphore_mem>>, %arg12: memref<!tpu.dma_semaphore, #tpu.memory_space<semaphore_mem>>, %arg13: memref<!tpu.dma_semaphore, #tpu.memory_space<semaphore_mem>>) attributes {dimension_semantics = [#tpu.dimension_semantics<core_parallel>, #tpu.dimension_semantics<subcore_parallel>], iteration_bounds = array<i64: 2, 16>, scalar_prefetch = 0 : i64, scratch_operands = 8 : i64, tpu.core_type = #tpu.core_type<sc_vector_subcore>, window_params = [{transform_indices = #map}, {transform_indices = #map1}, {transform_indices = #map1}, {transform_indices = #map}]} {
    %mul3A = arith.constant 2 : i32
    %mul3A_0 = arith.muli %arg1, %mul3A : i32
    %add3A = arith.addi %mul3A_0, %arg0 : i32
    %mul3A_1 = arith.constant 256 : i32
    %mul3A_2 = arith.muli %add3A, %mul3A_1 : i32
    "tpu.region"() ({
      %run_scoped3A = tpu.sem_alloc : memref<!tpu.dma_semaphore, #tpu.memory_space<semaphore_mem>>
      tpu.enqueue_dma source(%arg4 : memref<8xi32, #tpu.memory_space<hbm>>) target(%arg6 : memref<8xi32, #tpu.memory_space<vmem>>) target_semaphore(%run_scoped3A : memref<!tpu.dma_semaphore, #tpu.memory_space<semaphore_mem>>)
      tpu.wait_dma2 semaphore(%run_scoped3A : memref<!tpu.dma_semaphore, #tpu.memory_space<semaphore_mem>>) src(%arg4 : memref<8xi32, #tpu.memory_space<hbm>>) dst(%arg6 : memref<8xi32, #tpu.memory_space<vmem>>)
      tpu.yield
    }) : () -> ()
    %get3A = arith.constant 0 : index
    %get3A_3 = tpu.vector_load %arg6[%get3A] {strides = array<i32>} : memref<8xi32, #tpu.memory_space<vmem>>, vector<8xi32>,
    %get3A_4 = vector.shape_cast %get3A_3 : vector<8xi32> to vector<8xi32>
    %slice3A = vector.extract_strided_slice %get3A_4 {offsets = [0], sizes = [1], strides = [1]} : vector<8xi32> to vector<1xi32>
    %squeeze3A = vector.extract %slice3A[0] : i32 from vector<1xi32>
    %lt3A = arith.cmpi slt, %mul3A_2, %squeeze3A : i32
    %convert_element_type3A = arith.extui %lt3A : i1 to i32
    %cond3A = arith.constant 0 : i32
    %cond3A_5 = arith.cmpi ne, %convert_element_type3A, %cond3A : i32
    scf.if %cond3A_5 {
      "tpu.region"() ({
        %run_scoped3A = tpu.sem_alloc : memref<!tpu.dma_semaphore, #tpu.memory_space<semaphore_mem>>
        %dma_start3A_164 = tpu.memref_slice %arg3[%mul3A_2] : memref<8192xi32, #tpu.memory_space<hbm>> -> memref<256xi32, #tpu.memory_space<hbm>>
        %dma_start3A_165 = tpu.memref_slice %arg3[%mul3A_2] : memref<8192xi32, #tpu.memory_space<hbm>> -> memref<256xi32, #tpu.memory_space<hbm>>
        tpu.enqueue_dma source(%dma_start3A_165 : memref<256xi32, #tpu.memory_space<hbm>>) target(%arg7 : memref<256xi32, #tpu.memory_space<vmem>>) target_semaphore(%run_scoped3A : memref<!tpu.dma_semaphore, #tpu.memory_space<semaphore_mem>>)
        %dma_wait3A_166 = tpu.memref_slice %arg3[%mul3A_2] : memref<8192xi32, #tpu.memory_space<hbm>> -> memref<256xi32, #tpu.memory_space<hbm>>
        %dma_wait3A_167 = tpu.memref_slice %arg3[%mul3A_2] : memref<8192xi32, #tpu.memory_space<hbm>> -> memref<256xi32, #tpu.memory_space<hbm>>
        tpu.wait_dma2 semaphore(%run_scoped3A : memref<!tpu.dma_semaphore, #tpu.memory_space<semaphore_mem>>) src(%dma_wait3A_167 : memref<256xi32, #tpu.memory_space<hbm>>) dst(%arg7 : memref<256xi32, #tpu.memory_space<vmem>>)
        tpu.yield
      }) : () -> ()
      %dma_start3A = arith.constant 0 : i32
      %dma_start3A_6 = tpu.memref_slice %arg7[%dma_start3A] : memref<256xi32, #tpu.memory_space<vmem>> -> memref<32xi32, #tpu.memory_space<vmem>>
      %dma_start3A_7 = arith.constant 0 : i32
      %dma_start3A_8 = arith.constant 0 : i32
      %dma_start3A_9 = tpu.memref_slice %arg2[%dma_start3A_7, %dma_start3A_8] : memref<2048x1024xf32, #tpu.memory_space<hbm>> -> memref<2048x1024xf32, #tpu.memory_space<hbm>>
      tpu.enqueue_indirect_dma source(%dma_start3A_9 : memref<2048x1024xf32, #tpu.memory_space<hbm>>) target(%arg8 : memref<32x1024xf32, #tpu.memory_space<vmem>>) offsets(%dma_start3A_6 : memref<32xi32, #tpu.memory_space<vmem>>) semaphore(%arg10 : memref<!tpu.dma_semaphore, #tpu.memory_space<semaphore_mem>>)
      %dma_start3A_10 = arith.constant 32 : i32
      %dma_start3A_11 = tpu.memref_slice %arg7[%dma_start3A_10] : memref<256xi32, #tpu.memory_space<vmem>> -> memref<32xi32, #tpu.memory_space<vmem>>
      %dma_start3A_12 = arith.constant 0 : i32
      %dma_start3A_13 = arith.constant 0 : i32
      %dma_start3A_14 = tpu.memref_slice %arg2[%dma_start3A_12, %dma_start3A_13] : memref<2048x1024xf32, #tpu.memory_space<hbm>> -> memref<2048x1024xf32, #tpu.memory_space<hbm>>
      tpu.enqueue_indirect_dma source(%dma_start3A_14 : memref<2048x1024xf32, #tpu.memory_space<hbm>>) target(%arg9 : memref<32x1024xf32, #tpu.memory_space<vmem>>) offsets(%dma_start3A_11 : memref<32xi32, #tpu.memory_space<vmem>>) semaphore(%arg11 : memref<!tpu.dma_semaphore, #tpu.memory_space<semaphore_mem>>)
      %dma_wait3A = arith.constant 0 : i32
      %dma_wait3A_15 = tpu.memref_slice %arg7[%dma_wait3A] : memref<256xi32, #tpu.memory_space<vmem>> -> memref<32xi32, #tpu.memory_space<vmem>>
      %dma_wait3A_16 = arith.constant 0 : i32
      %dma_wait3A_17 = arith.constant 0 : i32
      %dma_wait3A_18 = tpu.memref_slice %arg2[%dma_wait3A_16, %dma_wait3A_17] : memref<2048x1024xf32, #tpu.memory_space<hbm>> -> memref<2048x1024xf32, #tpu.memory_space<hbm>>
      tpu.wait_indirect_dma semaphore(%arg10 : memref<!tpu.dma_semaphore, #tpu.memory_space<semaphore_mem>>) src(%dma_wait3A_18 : memref<2048x1024xf32, #tpu.memory_space<hbm>>) dst(%arg8 : memref<32x1024xf32, #tpu.memory_space<vmem>>)
      %add3A_19 = arith.constant 0 : i32
      %add3A_20 = arith.addi %mul3A_2, %add3A_19 : i32
      %dma_start3A_21 = arith.constant 0 : i32
      %dma_start3A_22 = tpu.memref_slice %arg5[%add3A_20, %dma_start3A_21] : memref<8192x1024xf32, #tpu.memory_space<hbm>> -> memref<32x1024xf32, #tpu.memory_space<hbm>>
      %dma_start3A_23 = arith.constant 0 : i32
      %dma_start3A_24 = tpu.memref_slice %arg5[%add3A_20, %dma_start3A_23] : memref<8192x1024xf32, #tpu.memory_space<hbm>> -> memref<32x1024xf32, #tpu.memory_space<hbm>>
      tpu.enqueue_dma source(%arg8 : memref<32x1024xf32, #tpu.memory_space<vmem>>) target(%dma_start3A_24 : memref<32x1024xf32, #tpu.memory_space<hbm>>) target_semaphore(%arg12 : memref<!tpu.dma_semaphore, #tpu.memory_space<semaphore_mem>>)
      %dma_wait3A_25 = arith.constant 0 : i32
      %dma_wait3A_26 = tpu.memref_slice %arg5[%add3A_20, %dma_wait3A_25] : memref<8192x1024xf32, #tpu.memory_space<hbm>> -> memref<32x1024xf32, #tpu.memory_space<hbm>>
      %dma_wait3A_27 = arith.constant 0 : i32
      %dma_wait3A_28 = tpu.memref_slice %arg5[%add3A_20, %dma_wait3A_27] : memref<8192x1024xf32, #tpu.memory_space<hbm>> -> memref<32x1024xf32, #tpu.memory_space<hbm>>
      tpu.wait_dma2 semaphore(%arg12 : memref<!tpu.dma_semaphore, #tpu.memory_space<semaphore_mem>>) src(%arg8 : memref<32x1024xf32, #tpu.memory_space<vmem>>) dst(%dma_wait3A_28 : memref<32x1024xf32, #tpu.memory_space<hbm>>)
      %dma_start3A_29 = arith.constant 64 : i32
      %dma_start3A_30 = tpu.memref_slice %arg7[%dma_start3A_29] : memref<256xi32, #tpu.memory_space<vmem>> -> memref<32xi32, #tpu.memory_space<vmem>>
      %dma_start3A_31 = arith.constant 0 : i32
      %dma_start3A_32 = arith.constant 0 : i32
      %dma_start3A_33 = tpu.memref_slice %arg2[%dma_start3A_31, %dma_start3A_32] : memref<2048x1024xf32, #tpu.memory_space<hbm>> -> memref<2048x1024xf32, #tpu.memory_space<hbm>>
      tpu.enqueue_indirect_dma source(%dma_start3A_33 : memref<2048x1024xf32, #tpu.memory_space<hbm>>) target(%arg8 : memref<32x1024xf32, #tpu.memory_space<vmem>>) offsets(%dma_start3A_30 : memref<32xi32, #tpu.memory_space<vmem>>) semaphore(%arg10 : memref<!tpu.dma_semaphore, #tpu.memory_space<semaphore_mem>>)
      %dma_wait3A_34 = arith.constant 32 : i32
      %dma_wait3A_35 = tpu.memref_slice %arg7[%dma_wait3A_34] : memref<256xi32, #tpu.memory_space<vmem>> -> memref<32xi32, #tpu.memory_space<vmem>>
      %dma_wait3A_36 = arith.constant 0 : i32
      %dma_wait3A_37 = arith.constant 0 : i32
      %dma_wait3A_38 = tpu.memref_slice %arg2[%dma_wait3A_36, %dma_wait3A_37] : memref<2048x1024xf32, #tpu.memory_space<hbm>> -> memref<2048x1024xf32, #tpu.memory_space<hbm>>
      tpu.wait_indirect_dma semaphore(%arg11 : memref<!tpu.dma_semaphore, #tpu.memory_space<semaphore_mem>>) src(%dma_wait3A_38 : memref<2048x1024xf32, #tpu.memory_space<hbm>>) dst(%arg9 : memref<32x1024xf32, #tpu.memory_space<vmem>>)
      %add3A_39 = arith.constant 32 : i32
      %add3A_40 = arith.addi %mul3A_2, %add3A_39 : i32
      %dma_start3A_41 = arith.constant 0 : i32
      %dma_start3A_42 = tpu.memref_slice %arg5[%add3A_40, %dma_start3A_41] : memref<8192x1024xf32, #tpu.memory_space<hbm>> -> memref<32x1024xf32, #tpu.memory_space<hbm>>
      %dma_start3A_43 = arith.constant 0 : i32
      %dma_start3A_44 = tpu.memref_slice %arg5[%add3A_40, %dma_start3A_43] : memref<8192x1024xf32, #tpu.memory_space<hbm>> -> memref<32x1024xf32, #tpu.memory_space<hbm>>
      tpu.enqueue_dma source(%arg9 : memref<32x1024xf32, #tpu.memory_space<vmem>>) target(%dma_start3A_44 : memref<32x1024xf32, #tpu.memory_space<hbm>>) target_semaphore(%arg13 : memref<!tpu.dma_semaphore, #tpu.memory_space<semaphore_mem>>)
      %dma_wait3A_45 = arith.constant 0 : i32
      %dma_wait3A_46 = tpu.memref_slice %arg5[%add3A_40, %dma_wait3A_45] : memref<8192x1024xf32, #tpu.memory_space<hbm>> -> memref<32x1024xf32, #tpu.memory_space<hbm>>
      %dma_wait3A_47 = arith.constant 0 : i32
      %dma_wait3A_48 = tpu.memref_slice %arg5[%add3A_40, %dma_wait3A_47] : memref<8192x1024xf32, #tpu.memory_space<hbm>> -> memref<32x1024xf32, #tpu.memory_space<hbm>>
      tpu.wait_dma2 semaphore(%arg13 : memref<!tpu.dma_semaphore, #tpu.memory_space<semaphore_mem>>) src(%arg9 : memref<32x1024xf32, #tpu.memory_space<vmem>>) dst(%dma_wait3A_48 : memref<32x1024xf32, #tpu.memory_space<hbm>>)
      %dma_start3A_49 = arith.constant 96 : i32
      %dma_start3A_50 = tpu.memref_slice %arg7[%dma_start3A_49] : memref<256xi32, #tpu.memory_space<vmem>> -> memref<32xi32, #tpu.memory_space<vmem>>
      %dma_start3A_51 = arith.constant 0 : i32
      %dma_start3A_52 = arith.constant 0 : i32
      %dma_start3A_53 = tpu.memref_slice %arg2[%dma_start3A_51, %dma_start3A_52] : memref<2048x1024xf32, #tpu.memory_space<hbm>> -> memref<2048x1024xf32, #tpu.memory_space<hbm>>
      tpu.enqueue_indirect_dma source(%dma_start3A_53 : memref<2048x1024xf32, #tpu.memory_space<hbm>>) target(%arg9 : memref<32x1024xf32, #tpu.memory_space<vmem>>) offsets(%dma_start3A_50 : memref<32xi32, #tpu.memory_space<vmem>>) semaphore(%arg11 : memref<!tpu.dma_semaphore, #tpu.memory_space<semaphore_mem>>)
      %dma_wait3A_54 = arith.constant 64 : i32
      %dma_wait3A_55 = tpu.memref_slice %arg7[%dma_wait3A_54] : memref<256xi32, #tpu.memory_space<vmem>> -> memref<32xi32, #tpu.memory_space<vmem>>
      %dma_wait3A_56 = arith.constant 0 : i32
      %dma_wait3A_57 = arith.constant 0 : i32
      %dma_wait3A_58 = tpu.memref_slice %arg2[%dma_wait3A_56, %dma_wait3A_57] : memref<2048x1024xf32, #tpu.memory_space<hbm>> -> memref<2048x1024xf32, #tpu.memory_space<hbm>>
      tpu.wait_indirect_dma semaphore(%arg10 : memref<!tpu.dma_semaphore, #tpu.memory_space<semaphore_mem>>) src(%dma_wait3A_58 : memref<2048x1024xf32, #tpu.memory_space<hbm>>) dst(%arg8 : memref<32x1024xf32, #tpu.memory_space<vmem>>)
      %add3A_59 = arith.constant 64 : i32
      %add3A_60 = arith.addi %mul3A_2, %add3A_59 : i32
      %dma_start3A_61 = arith.constant 0 : i32
      %dma_start3A_62 = tpu.memref_slice %arg5[%add3A_60, %dma_start3A_61] : memref<8192x1024xf32, #tpu.memory_space<hbm>> -> memref<32x1024xf32, #tpu.memory_space<hbm>>
      %dma_start3A_63 = arith.constant 0 : i32
      %dma_start3A_64 = tpu.memref_slice %arg5[%add3A_60, %dma_start3A_63] : memref<8192x1024xf32, #tpu.memory_space<hbm>> -> memref<32x1024xf32, #tpu.memory_space<hbm>>
      tpu.enqueue_dma source(%arg8 : memref<32x1024xf32, #tpu.memory_space<vmem>>) target(%dma_start3A_64 : memref<32x1024xf32, #tpu.memory_space<hbm>>) target_semaphore(%arg12 : memref<!tpu.dma_semaphore, #tpu.memory_space<semaphore_mem>>)
      %dma_wait3A_65 = arith.constant 0 : i32
      %dma_wait3A_66 = tpu.memref_slice %arg5[%add3A_60, %dma_wait3A_65] : memref<8192x1024xf32, #tpu.memory_space<hbm>> -> memref<32x1024xf32, #tpu.memory_space<hbm>>
      %dma_wait3A_67 = arith.constant 0 : i32
      %dma_wait3A_68 = tpu.memref_slice %arg5[%add3A_60, %dma_wait3A_67] : memref<8192x1024xf32, #tpu.memory_space<hbm>> -> memref<32x1024xf32, #tpu.memory_space<hbm>>
      tpu.wait_dma2 semaphore(%arg12 : memref<!tpu.dma_semaphore, #tpu.memory_space<semaphore_mem>>) src(%arg8 : memref<32x1024xf32, #tpu.memory_space<vmem>>) dst(%dma_wait3A_68 : memref<32x1024xf32, #tpu.memory_space<hbm>>)
      %dma_start3A_69 = arith.constant 128 : i32
      %dma_start3A_70 = tpu.memref_slice %arg7[%dma_start3A_69] : memref<256xi32, #tpu.memory_space<vmem>> -> memref<32xi32, #tpu.memory_space<vmem>>
      %dma_start3A_71 = arith.constant 0 : i32
      %dma_start3A_72 = arith.constant 0 : i32
      %dma_start3A_73 = tpu.memref_slice %arg2[%dma_start3A_71, %dma_start3A_72] : memref<2048x1024xf32, #tpu.memory_space<hbm>> -> memref<2048x1024xf32, #tpu.memory_space<hbm>>
      tpu.enqueue_indirect_dma source(%dma_start3A_73 : memref<2048x1024xf32, #tpu.memory_space<hbm>>) target(%arg8 : memref<32x1024xf32, #tpu.memory_space<vmem>>) offsets(%dma_start3A_70 : memref<32xi32, #tpu.memory_space<vmem>>) semaphore(%arg10 : memref<!tpu.dma_semaphore, #tpu.memory_space<semaphore_mem>>)
      %dma_wait3A_74 = arith.constant 96 : i32
      %dma_wait3A_75 = tpu.memref_slice %arg7[%dma_wait3A_74] : memref<256xi32, #tpu.memory_space<vmem>> -> memref<32xi32, #tpu.memory_space<vmem>>
      %dma_wait3A_76 = arith.constant 0 : i32
      %dma_wait3A_77 = arith.constant 0 : i32
      %dma_wait3A_78 = tpu.memref_slice %arg2[%dma_wait3A_76, %dma_wait3A_77] : memref<2048x1024xf32, #tpu.memory_space<hbm>> -> memref<2048x1024xf32, #tpu.memory_space<hbm>>
      tpu.wait_indirect_dma semaphore(%arg11 : memref<!tpu.dma_semaphore, #tpu.memory_space<semaphore_mem>>) src(%dma_wait3A_78 : memref<2048x1024xf32, #tpu.memory_space<hbm>>) dst(%arg9 : memref<32x1024xf32, #tpu.memory_space<vmem>>)
      %add3A_79 = arith.constant 96 : i32
      %add3A_80 = arith.addi %mul3A_2, %add3A_79 : i32
      %dma_start3A_81 = arith.constant 0 : i32
      %dma_start3A_82 = tpu.memref_slice %arg5[%add3A_80, %dma_start3A_81] : memref<8192x1024xf32, #tpu.memory_space<hbm>> -> memref<32x1024xf32, #tpu.memory_space<hbm>>
      %dma_start3A_83 = arith.constant 0 : i32
      %dma_start3A_84 = tpu.memref_slice %arg5[%add3A_80, %dma_start3A_83] : memref<8192x1024xf32, #tpu.memory_space<hbm>> -> memref<32x1024xf32, #tpu.memory_space<hbm>>
      tpu.enqueue_dma source(%arg9 : memref<32x1024xf32, #tpu.memory_space<vmem>>) target(%dma_start3A_84 : memref<32x1024xf32, #tpu.memory_space<hbm>>) target_semaphore(%arg13 : memref<!tpu.dma_semaphore, #tpu.memory_space<semaphore_mem>>)
      %dma_wait3A_85 = arith.constant 0 : i32
      %dma_wait3A_86 = tpu.memref_slice %arg5[%add3A_80, %dma_wait3A_85] : memref<8192x1024xf32, #tpu.memory_space<hbm>> -> memref<32x1024xf32, #tpu.memory_space<hbm>>
      %dma_wait3A_87 = arith.constant 0 : i32
      %dma_wait3A_88 = tpu.memref_slice %arg5[%add3A_80, %dma_wait3A_87] : memref<8192x1024xf32, #tpu.memory_space<hbm>> -> memref<32x1024xf32, #tpu.memory_space<hbm>>
      tpu.wait_dma2 semaphore(%arg13 : memref<!tpu.dma_semaphore, #tpu.memory_space<semaphore_mem>>) src(%arg9 : memref<32x1024xf32, #tpu.memory_space<vmem>>) dst(%dma_wait3A_88 : memref<32x1024xf32, #tpu.memory_space<hbm>>)
      %dma_start3A_89 = arith.constant 160 : i32
      %dma_start3A_90 = tpu.memref_slice %arg7[%dma_start3A_89] : memref<256xi32, #tpu.memory_space<vmem>> -> memref<32xi32, #tpu.memory_space<vmem>>
      %dma_start3A_91 = arith.constant 0 : i32
      %dma_start3A_92 = arith.constant 0 : i32
      %dma_start3A_93 = tpu.memref_slice %arg2[%dma_start3A_91, %dma_start3A_92] : memref<2048x1024xf32, #tpu.memory_space<hbm>> -> memref<2048x1024xf32, #tpu.memory_space<hbm>>
      tpu.enqueue_indirect_dma source(%dma_start3A_93 : memref<2048x1024xf32, #tpu.memory_space<hbm>>) target(%arg9 : memref<32x1024xf32, #tpu.memory_space<vmem>>) offsets(%dma_start3A_90 : memref<32xi32, #tpu.memory_space<vmem>>) semaphore(%arg11 : memref<!tpu.dma_semaphore, #tpu.memory_space<semaphore_mem>>)
      %dma_wait3A_94 = arith.constant 128 : i32
      %dma_wait3A_95 = tpu.memref_slice %arg7[%dma_wait3A_94] : memref<256xi32, #tpu.memory_space<vmem>> -> memref<32xi32, #tpu.memory_space<vmem>>
      %dma_wait3A_96 = arith.constant 0 : i32
      %dma_wait3A_97 = arith.constant 0 : i32
      %dma_wait3A_98 = tpu.memref_slice %arg2[%dma_wait3A_96, %dma_wait3A_97] : memref<2048x1024xf32, #tpu.memory_space<hbm>> -> memref<2048x1024xf32, #tpu.memory_space<hbm>>
      tpu.wait_indirect_dma semaphore(%arg10 : memref<!tpu.dma_semaphore, #tpu.memory_space<semaphore_mem>>) src(%dma_wait3A_98 : memref<2048x1024xf32, #tpu.memory_space<hbm>>) dst(%arg8 : memref<32x1024xf32, #tpu.memory_space<vmem>>)
      %add3A_99 = arith.constant 128 : i32
      %add3A_100 = arith.addi %mul3A_2, %add3A_99 : i32
      %dma_start3A_101 = arith.constant 0 : i32
      %dma_start3A_102 = tpu.memref_slice %arg5[%add3A_100, %dma_start3A_101] : memref<8192x1024xf32, #tpu.memory_space<hbm>> -> memref<32x1024xf32, #tpu.memory_space<hbm>>
      %dma_start3A_103 = arith.constant 0 : i32
      %dma_start3A_104 = tpu.memref_slice %arg5[%add3A_100, %dma_start3A_103] : memref<8192x1024xf32, #tpu.memory_space<hbm>> -> memref<32x1024xf32, #tpu.memory_space<hbm>>
      tpu.enqueue_dma source(%arg8 : memref<32x1024xf32, #tpu.memory_space<vmem>>) target(%dma_start3A_104 : memref<32x1024xf32, #tpu.memory_space<hbm>>) target_semaphore(%arg12 : memref<!tpu.dma_semaphore, #tpu.memory_space<semaphore_mem>>)
      %dma_wait3A_105 = arith.constant 0 : i32
      %dma_wait3A_106 = tpu.memref_slice %arg5[%add3A_100, %dma_wait3A_105] : memref<8192x1024xf32, #tpu.memory_space<hbm>> -> memref<32x1024xf32, #tpu.memory_space<hbm>>
      %dma_wait3A_107 = arith.constant 0 : i32
      %dma_wait3A_108 = tpu.memref_slice %arg5[%add3A_100, %dma_wait3A_107] : memref<8192x1024xf32, #tpu.memory_space<hbm>> -> memref<32x1024xf32, #tpu.memory_space<hbm>>
      tpu.wait_dma2 semaphore(%arg12 : memref<!tpu.dma_semaphore, #tpu.memory_space<semaphore_mem>>) src(%arg8 : memref<32x1024xf32, #tpu.memory_space<vmem>>) dst(%dma_wait3A_108 : memref<32x1024xf32, #tpu.memory_space<hbm>>)
      %dma_start3A_109 = arith.constant 192 : i32
      %dma_start3A_110 = tpu.memref_slice %arg7[%dma_start3A_109] : memref<256xi32, #tpu.memory_space<vmem>> -> memref<32xi32, #tpu.memory_space<vmem>>
      %dma_start3A_111 = arith.constant 0 : i32
      %dma_start3A_112 = arith.constant 0 : i32
      %dma_start3A_113 = tpu.memref_slice %arg2[%dma_start3A_111, %dma_start3A_112] : memref<2048x1024xf32, #tpu.memory_space<hbm>> -> memref<2048x1024xf32, #tpu.memory_space<hbm>>
      tpu.enqueue_indirect_dma source(%dma_start3A_113 : memref<2048x1024xf32, #tpu.memory_space<hbm>>) target(%arg8 : memref<32x1024xf32, #tpu.memory_space<vmem>>) offsets(%dma_start3A_110 : memref<32xi32, #tpu.memory_space<vmem>>) semaphore(%arg10 : memref<!tpu.dma_semaphore, #tpu.memory_space<semaphore_mem>>)
      %dma_wait3A_114 = arith.constant 160 : i32
      %dma_wait3A_115 = tpu.memref_slice %arg7[%dma_wait3A_114] : memref<256xi32, #tpu.memory_space<vmem>> -> memref<32xi32, #tpu.memory_space<vmem>>
      %dma_wait3A_116 = arith.constant 0 : i32
      %dma_wait3A_117 = arith.constant 0 : i32
      %dma_wait3A_118 = tpu.memref_slice %arg2[%dma_wait3A_116, %dma_wait3A_117] : memref<2048x1024xf32, #tpu.memory_space<hbm>> -> memref<2048x1024xf32, #tpu.memory_space<hbm>>
      tpu.wait_indirect_dma semaphore(%arg11 : memref<!tpu.dma_semaphore, #tpu.memory_space<semaphore_mem>>) src(%dma_wait3A_118 : memref<2048x1024xf32, #tpu.memory_space<hbm>>) dst(%arg9 : memref<32x1024xf32, #tpu.memory_space<vmem>>)
      %add3A_119 = arith.constant 160 : i32
      %add3A_120 = arith.addi %mul3A_2, %add3A_119 : i32
      %dma_start3A_121 = arith.constant 0 : i32
      %dma_start3A_122 = tpu.memref_slice %arg5[%add3A_120, %dma_start3A_121] : memref<8192x1024xf32, #tpu.memory_space<hbm>> -> memref<32x1024xf32, #tpu.memory_space<hbm>>
      %dma_start3A_123 = arith.constant 0 : i32
      %dma_start3A_124 = tpu.memref_slice %arg5[%add3A_120, %dma_start3A_123] : memref<8192x1024xf32, #tpu.memory_space<hbm>> -> memref<32x1024xf32, #tpu.memory_space<hbm>>
      tpu.enqueue_dma source(%arg9 : memref<32x1024xf32, #tpu.memory_space<vmem>>) target(%dma_start3A_124 : memref<32x1024xf32, #tpu.memory_space<hbm>>) target_semaphore(%arg13 : memref<!tpu.dma_semaphore, #tpu.memory_space<semaphore_mem>>)
      %dma_wait3A_125 = arith.constant 0 : i32
      %dma_wait3A_126 = tpu.memref_slice %arg5[%add3A_120, %dma_wait3A_125] : memref<8192x1024xf32, #tpu.memory_space<hbm>> -> memref<32x1024xf32, #tpu.memory_space<hbm>>
      %dma_wait3A_127 = arith.constant 0 : i32
      %dma_wait3A_128 = tpu.memref_slice %arg5[%add3A_120, %dma_wait3A_127] : memref<8192x1024xf32, #tpu.memory_space<hbm>> -> memref<32x1024xf32, #tpu.memory_space<hbm>>
      tpu.wait_dma2 semaphore(%arg13 : memref<!tpu.dma_semaphore, #tpu.memory_space<semaphore_mem>>) src(%arg9 : memref<32x1024xf32, #tpu.memory_space<vmem>>) dst(%dma_wait3A_128 : memref<32x1024xf32, #tpu.memory_space<hbm>>)
      %dma_start3A_129 = arith.constant 224 : i32
      %dma_start3A_130 = tpu.memref_slice %arg7[%dma_start3A_129] : memref<256xi32, #tpu.memory_space<vmem>> -> memref<32xi32, #tpu.memory_space<vmem>>
      %dma_start3A_131 = arith.constant 0 : i32
      %dma_start3A_132 = arith.constant 0 : i32
      %dma_start3A_133 = tpu.memref_slice %arg2[%dma_start3A_131, %dma_start3A_132] : memref<2048x1024xf32, #tpu.memory_space<hbm>> -> memref<2048x1024xf32, #tpu.memory_space<hbm>>
      tpu.enqueue_indirect_dma source(%dma_start3A_133 : memref<2048x1024xf32, #tpu.memory_space<hbm>>) target(%arg9 : memref<32x1024xf32, #tpu.memory_space<vmem>>) offsets(%dma_start3A_130 : memref<32xi32, #tpu.memory_space<vmem>>) semaphore(%arg11 : memref<!tpu.dma_semaphore, #tpu.memory_space<semaphore_mem>>)
      %dma_wait3A_134 = arith.constant 192 : i32
      %dma_wait3A_135 = tpu.memref_slice %arg7[%dma_wait3A_134] : memref<256xi32, #tpu.memory_space<vmem>> -> memref<32xi32, #tpu.memory_space<vmem>>
      %dma_wait3A_136 = arith.constant 0 : i32
      %dma_wait3A_137 = arith.constant 0 : i32
      %dma_wait3A_138 = tpu.memref_slice %arg2[%dma_wait3A_136, %dma_wait3A_137] : memref<2048x1024xf32, #tpu.memory_space<hbm>> -> memref<2048x1024xf32, #tpu.memory_space<hbm>>
      tpu.wait_indirect_dma semaphore(%arg10 : memref<!tpu.dma_semaphore, #tpu.memory_space<semaphore_mem>>) src(%dma_wait3A_138 : memref<2048x1024xf32, #tpu.memory_space<hbm>>) dst(%arg8 : memref<32x1024xf32, #tpu.memory_space<vmem>>)
      %add3A_139 = arith.constant 192 : i32
      %add3A_140 = arith.addi %mul3A_2, %add3A_139 : i32
      %dma_start3A_141 = arith.constant 0 : i32
      %dma_start3A_142 = tpu.memref_slice %arg5[%add3A_140, %dma_start3A_141] : memref<8192x1024xf32, #tpu.memory_space<hbm>> -> memref<32x1024xf32, #tpu.memory_space<hbm>>
      %dma_start3A_143 = arith.constant 0 : i32
      %dma_start3A_144 = tpu.memref_slice %arg5[%add3A_140, %dma_start3A_143] : memref<8192x1024xf32, #tpu.memory_space<hbm>> -> memref<32x1024xf32, #tpu.memory_space<hbm>>
      tpu.enqueue_dma source(%arg8 : memref<32x1024xf32, #tpu.memory_space<vmem>>) target(%dma_start3A_144 : memref<32x1024xf32, #tpu.memory_space<hbm>>) target_semaphore(%arg12 : memref<!tpu.dma_semaphore, #tpu.memory_space<semaphore_mem>>)
      %dma_wait3A_145 = arith.constant 224 : i32
      %dma_wait3A_146 = tpu.memref_slice %arg7[%dma_wait3A_145] : memref<256xi32, #tpu.memory_space<vmem>> -> memref<32xi32, #tpu.memory_space<vmem>>
      %dma_wait3A_147 = arith.constant 0 : i32
      %dma_wait3A_148 = arith.constant 0 : i32
      %dma_wait3A_149 = tpu.memref_slice %arg2[%dma_wait3A_147, %dma_wait3A_148] : memref<2048x1024xf32, #tpu.memory_space<hbm>> -> memref<2048x1024xf32, #tpu.memory_space<hbm>>
      tpu.wait_indirect_dma semaphore(%arg11 : memref<!tpu.dma_semaphore, #tpu.memory_space<semaphore_mem>>) src(%dma_wait3A_149 : memref<2048x1024xf32, #tpu.memory_space<hbm>>) dst(%arg9 : memref<32x1024xf32, #tpu.memory_space<vmem>>)
      %add3A_150 = arith.constant 224 : i32
      %add3A_151 = arith.addi %mul3A_2, %add3A_150 : i32
      %dma_start3A_152 = arith.constant 0 : i32
      %dma_start3A_153 = tpu.memref_slice %arg5[%add3A_151, %dma_start3A_152] : memref<8192x1024xf32, #tpu.memory_space<hbm>> -> memref<32x1024xf32, #tpu.memory_space<hbm>>
      %dma_start3A_154 = arith.constant 0 : i32
      %dma_start3A_155 = tpu.memref_slice %arg5[%add3A_151, %dma_start3A_154] : memref<8192x1024xf32, #tpu.memory_space<hbm>> -> memref<32x1024xf32, #tpu.memory_space<hbm>>
      tpu.enqueue_dma source(%arg9 : memref<32x1024xf32, #tpu.memory_space<vmem>>) target(%dma_start3A_155 : memref<32x1024xf32, #tpu.memory_space<hbm>>) target_semaphore(%arg13 : memref<!tpu.dma_semaphore, #tpu.memory_space<semaphore_mem>>)
      %dma_wait3A_156 = arith.constant 0 : i32
      %dma_wait3A_157 = tpu.memref_slice %arg5[%add3A_140, %dma_wait3A_156] : memref<8192x1024xf32, #tpu.memory_space<hbm>> -> memref<32x1024xf32, #tpu.memory_space<hbm>>
      %dma_wait3A_158 = arith.constant 0 : i32
      %dma_wait3A_159 = tpu.memref_slice %arg5[%add3A_140, %dma_wait3A_158] : memref<8192x1024xf32, #tpu.memory_space<hbm>> -> memref<32x1024xf32, #tpu.memory_space<hbm>>
      tpu.wait_dma2 semaphore(%arg12 : memref<!tpu.dma_semaphore, #tpu.memory_space<semaphore_mem>>) src(%arg8 : memref<32x1024xf32, #tpu.memory_space<vmem>>) dst(%dma_wait3A_159 : memref<32x1024xf32, #tpu.memory_space<hbm>>)
      %dma_wait3A_160 = arith.constant 0 : i32
      %dma_wait3A_161 = tpu.memref_slice %arg5[%add3A_151, %dma_wait3A_160] : memref<8192x1024xf32, #tpu.memory_space<hbm>> -> memref<32x1024xf32, #tpu.memory_space<hbm>>
      %dma_wait3A_162 = arith.constant 0 : i32
      %dma_wait3A_163 = tpu.memref_slice %arg5[%add3A_151, %dma_wait3A_162] : memref<8192x1024xf32, #tpu.memory_space<hbm>> -> memref<32x1024xf32, #tpu.memory_space<hbm>>
      tpu.wait_dma2 semaphore(%arg13 : memref<!tpu.dma_semaphore, #tpu.memory_space<semaphore_mem>>) src(%arg9 : memref<32x1024xf32, #tpu.memory_space<vmem>>) dst(%dma_wait3A_163 : memref<32x1024xf32, #tpu.memory_space<hbm>>)
    } else {
    }
    return
  }
}

#map = affine_map<(d0, d1) -> (0, 0)>
#map1 = affine_map<(d0, d1) -> (0)>
module attributes {stable_mosaic.version = 14 : i64} {
  func.func @k(%arg0: i32, %arg1: i32, %arg2: memref<8192x1024xf32, #tpu.memory_space<hbm>>, %arg3: memref<4096xi32, #tpu.memory_space<hbm>>, %arg4: memref<8xi32, #tpu.memory_space<hbm>>, %arg5: memref<4096x1024xf32, #tpu.memory_space<hbm>>, %arg6: memref<8xi32, #tpu.memory_space<vmem>>, %arg7: memref<128xi32, #tpu.memory_space<vmem>>, %arg8: memref<32x1024xf32, #tpu.memory_space<vmem>>, %arg9: memref<32x1024xf32, #tpu.memory_space<vmem>>, %arg10: memref<!tpu.dma_semaphore, #tpu.memory_space<semaphore_mem>>, %arg11: memref<!tpu.dma_semaphore, #tpu.memory_space<semaphore_mem>>, %arg12: memref<!tpu.dma_semaphore, #tpu.memory_space<semaphore_mem>>, %arg13: memref<!tpu.dma_semaphore, #tpu.memory_space<semaphore_mem>>) attributes {dimension_semantics = [#tpu.dimension_semantics<core_parallel>, #tpu.dimension_semantics<subcore_parallel>], iteration_bounds = array<i64: 2, 16>, scalar_prefetch = 0 : i64, scratch_operands = 8 : i64, tpu.core_type = #tpu.core_type<sc_vector_subcore>, window_params = [{transform_indices = #map}, {transform_indices = #map1}, {transform_indices = #map1}, {transform_indices = #map}]} {
    %mul3A = arith.constant 2 : i32
    %mul3A_0 = arith.muli %arg1, %mul3A : i32
    %add3A = arith.addi %mul3A_0, %arg0 : i32
    %mul3A_1 = arith.constant 128 : i32
    %mul3A_2 = arith.muli %add3A, %mul3A_1 : i32
    "tpu.region"() ({
      %run_scoped3A = tpu.sem_alloc : memref<!tpu.dma_semaphore, #tpu.memory_space<semaphore_mem>>
      tpu.enqueue_dma source(%arg4 : memref<8xi32, #tpu.memory_space<hbm>>) target(%arg6 : memref<8xi32, #tpu.memory_space<vmem>>) target_semaphore(%run_scoped3A : memref<!tpu.dma_semaphore, #tpu.memory_space<semaphore_mem>>)
      tpu.wait_dma2 semaphore(%run_scoped3A : memref<!tpu.dma_semaphore, #tpu.memory_space<semaphore_mem>>) src(%arg4 : memref<8xi32, #tpu.memory_space<hbm>>) dst(%arg6 : memref<8xi32, #tpu.memory_space<vmem>>)
      tpu.yield
    }) : () -> ()
    %get3A = arith.constant 0 : index
    %get3A_3 = tpu.vector_load %arg6[%get3A] {strides = array<i32>} : memref<8xi32, #tpu.memory_space<vmem>>, vector<8xi32>,
    %get3A_4 = vector.shape_cast %get3A_3 : vector<8xi32> to vector<8xi32>
    %slice3A = vector.extract_strided_slice %get3A_4 {offsets = [0], sizes = [1], strides = [1]} : vector<8xi32> to vector<1xi32>
    %squeeze3A = vector.extract %slice3A[0] : i32 from vector<1xi32>
    %lt3A = arith.cmpi slt, %mul3A_2, %squeeze3A : i32
    %convert_element_type3A = arith.extui %lt3A : i1 to i32
    %cond3A = arith.constant 0 : i32
    %cond3A_5 = arith.cmpi ne, %convert_element_type3A, %cond3A : i32
    scf.if %cond3A_5 {
      "tpu.region"() ({
        %run_scoped3A = tpu.sem_alloc : memref<!tpu.dma_semaphore, #tpu.memory_space<semaphore_mem>>
        %dma_start3A_84 = tpu.memref_slice %arg3[%mul3A_2] : memref<4096xi32, #tpu.memory_space<hbm>> -> memref<128xi32, #tpu.memory_space<hbm>>
        %dma_start3A_85 = tpu.memref_slice %arg3[%mul3A_2] : memref<4096xi32, #tpu.memory_space<hbm>> -> memref<128xi32, #tpu.memory_space<hbm>>
        tpu.enqueue_dma source(%dma_start3A_85 : memref<128xi32, #tpu.memory_space<hbm>>) target(%arg7 : memref<128xi32, #tpu.memory_space<vmem>>) target_semaphore(%run_scoped3A : memref<!tpu.dma_semaphore, #tpu.memory_space<semaphore_mem>>)
        %dma_wait3A_86 = tpu.memref_slice %arg3[%mul3A_2] : memref<4096xi32, #tpu.memory_space<hbm>> -> memref<128xi32, #tpu.memory_space<hbm>>
        %dma_wait3A_87 = tpu.memref_slice %arg3[%mul3A_2] : memref<4096xi32, #tpu.memory_space<hbm>> -> memref<128xi32, #tpu.memory_space<hbm>>
        tpu.wait_dma2 semaphore(%run_scoped3A : memref<!tpu.dma_semaphore, #tpu.memory_space<semaphore_mem>>) src(%dma_wait3A_87 : memref<128xi32, #tpu.memory_space<hbm>>) dst(%arg7 : memref<128xi32, #tpu.memory_space<vmem>>)
        tpu.yield
      }) : () -> ()
      %dma_start3A = arith.constant 0 : i32
      %dma_start3A_6 = tpu.memref_slice %arg7[%dma_start3A] : memref<128xi32, #tpu.memory_space<vmem>> -> memref<32xi32, #tpu.memory_space<vmem>>
      %dma_start3A_7 = arith.constant 0 : i32
      %dma_start3A_8 = arith.constant 0 : i32
      %dma_start3A_9 = tpu.memref_slice %arg2[%dma_start3A_7, %dma_start3A_8] : memref<8192x1024xf32, #tpu.memory_space<hbm>> -> memref<8192x1024xf32, #tpu.memory_space<hbm>>
      tpu.enqueue_indirect_dma source(%dma_start3A_9 : memref<8192x1024xf32, #tpu.memory_space<hbm>>) target(%arg8 : memref<32x1024xf32, #tpu.memory_space<vmem>>) offsets(%dma_start3A_6 : memref<32xi32, #tpu.memory_space<vmem>>) semaphore(%arg10 : memref<!tpu.dma_semaphore, #tpu.memory_space<semaphore_mem>>)
      %dma_start3A_10 = arith.constant 32 : i32
      %dma_start3A_11 = tpu.memref_slice %arg7[%dma_start3A_10] : memref<128xi32, #tpu.memory_space<vmem>> -> memref<32xi32, #tpu.memory_space<vmem>>
      %dma_start3A_12 = arith.constant 0 : i32
      %dma_start3A_13 = arith.constant 0 : i32
      %dma_start3A_14 = tpu.memref_slice %arg2[%dma_start3A_12, %dma_start3A_13] : memref<8192x1024xf32, #tpu.memory_space<hbm>> -> memref<8192x1024xf32, #tpu.memory_space<hbm>>
      tpu.enqueue_indirect_dma source(%dma_start3A_14 : memref<8192x1024xf32, #tpu.memory_space<hbm>>) target(%arg9 : memref<32x1024xf32, #tpu.memory_space<vmem>>) offsets(%dma_start3A_11 : memref<32xi32, #tpu.memory_space<vmem>>) semaphore(%arg11 : memref<!tpu.dma_semaphore, #tpu.memory_space<semaphore_mem>>)
      %dma_wait3A = arith.constant 0 : i32
      %dma_wait3A_15 = tpu.memref_slice %arg7[%dma_wait3A] : memref<128xi32, #tpu.memory_space<vmem>> -> memref<32xi32, #tpu.memory_space<vmem>>
      %dma_wait3A_16 = arith.constant 0 : i32
      %dma_wait3A_17 = arith.constant 0 : i32
      %dma_wait3A_18 = tpu.memref_slice %arg2[%dma_wait3A_16, %dma_wait3A_17] : memref<8192x1024xf32, #tpu.memory_space<hbm>> -> memref<8192x1024xf32, #tpu.memory_space<hbm>>
      tpu.wait_indirect_dma semaphore(%arg10 : memref<!tpu.dma_semaphore, #tpu.memory_space<semaphore_mem>>) src(%dma_wait3A_18 : memref<8192x1024xf32, #tpu.memory_space<hbm>>) dst(%arg8 : memref<32x1024xf32, #tpu.memory_space<vmem>>)
      %add3A_19 = arith.constant 0 : i32
      %add3A_20 = arith.addi %mul3A_2, %add3A_19 : i32
      %dma_start3A_21 = arith.constant 0 : i32
      %dma_start3A_22 = tpu.memref_slice %arg5[%add3A_20, %dma_start3A_21] : memref<4096x1024xf32, #tpu.memory_space<hbm>> -> memref<32x1024xf32, #tpu.memory_space<hbm>>
      %dma_start3A_23 = arith.constant 0 : i32
      %dma_start3A_24 = tpu.memref_slice %arg5[%add3A_20, %dma_start3A_23] : memref<4096x1024xf32, #tpu.memory_space<hbm>> -> memref<32x1024xf32, #tpu.memory_space<hbm>>
      tpu.enqueue_dma source(%arg8 : memref<32x1024xf32, #tpu.memory_space<vmem>>) target(%dma_start3A_24 : memref<32x1024xf32, #tpu.memory_space<hbm>>) target_semaphore(%arg12 : memref<!tpu.dma_semaphore, #tpu.memory_space<semaphore_mem>>)
      %dma_wait3A_25 = arith.constant 0 : i32
      %dma_wait3A_26 = tpu.memref_slice %arg5[%add3A_20, %dma_wait3A_25] : memref<4096x1024xf32, #tpu.memory_space<hbm>> -> memref<32x1024xf32, #tpu.memory_space<hbm>>
      %dma_wait3A_27 = arith.constant 0 : i32
      %dma_wait3A_28 = tpu.memref_slice %arg5[%add3A_20, %dma_wait3A_27] : memref<4096x1024xf32, #tpu.memory_space<hbm>> -> memref<32x1024xf32, #tpu.memory_space<hbm>>
      tpu.wait_dma2 semaphore(%arg12 : memref<!tpu.dma_semaphore, #tpu.memory_space<semaphore_mem>>) src(%arg8 : memref<32x1024xf32, #tpu.memory_space<vmem>>) dst(%dma_wait3A_28 : memref<32x1024xf32, #tpu.memory_space<hbm>>)
      %dma_start3A_29 = arith.constant 64 : i32
      %dma_start3A_30 = tpu.memref_slice %arg7[%dma_start3A_29] : memref<128xi32, #tpu.memory_space<vmem>> -> memref<32xi32, #tpu.memory_space<vmem>>
      %dma_start3A_31 = arith.constant 0 : i32
      %dma_start3A_32 = arith.constant 0 : i32
      %dma_start3A_33 = tpu.memref_slice %arg2[%dma_start3A_31, %dma_start3A_32] : memref<8192x1024xf32, #tpu.memory_space<hbm>> -> memref<8192x1024xf32, #tpu.memory_space<hbm>>
      tpu.enqueue_indirect_dma source(%dma_start3A_33 : memref<8192x1024xf32, #tpu.memory_space<hbm>>) target(%arg8 : memref<32x1024xf32, #tpu.memory_space<vmem>>) offsets(%dma_start3A_30 : memref<32xi32, #tpu.memory_space<vmem>>) semaphore(%arg10 : memref<!tpu.dma_semaphore, #tpu.memory_space<semaphore_mem>>)
      %dma_wait3A_34 = arith.constant 32 : i32
      %dma_wait3A_35 = tpu.memref_slice %arg7[%dma_wait3A_34] : memref<128xi32, #tpu.memory_space<vmem>> -> memref<32xi32, #tpu.memory_space<vmem>>
      %dma_wait3A_36 = arith.constant 0 : i32
      %dma_wait3A_37 = arith.constant 0 : i32
      %dma_wait3A_38 = tpu.memref_slice %arg2[%dma_wait3A_36, %dma_wait3A_37] : memref<8192x1024xf32, #tpu.memory_space<hbm>> -> memref<8192x1024xf32, #tpu.memory_space<hbm>>
      tpu.wait_indirect_dma semaphore(%arg11 : memref<!tpu.dma_semaphore, #tpu.memory_space<semaphore_mem>>) src(%dma_wait3A_38 : memref<8192x1024xf32, #tpu.memory_space<hbm>>) dst(%arg9 : memref<32x1024xf32, #tpu.memory_space<vmem>>)
      %add3A_39 = arith.constant 32 : i32
      %add3A_40 = arith.addi %mul3A_2, %add3A_39 : i32
      %dma_start3A_41 = arith.constant 0 : i32
      %dma_start3A_42 = tpu.memref_slice %arg5[%add3A_40, %dma_start3A_41] : memref<4096x1024xf32, #tpu.memory_space<hbm>> -> memref<32x1024xf32, #tpu.memory_space<hbm>>
      %dma_start3A_43 = arith.constant 0 : i32
      %dma_start3A_44 = tpu.memref_slice %arg5[%add3A_40, %dma_start3A_43] : memref<4096x1024xf32, #tpu.memory_space<hbm>> -> memref<32x1024xf32, #tpu.memory_space<hbm>>
      tpu.enqueue_dma source(%arg9 : memref<32x1024xf32, #tpu.memory_space<vmem>>) target(%dma_start3A_44 : memref<32x1024xf32, #tpu.memory_space<hbm>>) target_semaphore(%arg13 : memref<!tpu.dma_semaphore, #tpu.memory_space<semaphore_mem>>)
      %dma_wait3A_45 = arith.constant 0 : i32
      %dma_wait3A_46 = tpu.memref_slice %arg5[%add3A_40, %dma_wait3A_45] : memref<4096x1024xf32, #tpu.memory_space<hbm>> -> memref<32x1024xf32, #tpu.memory_space<hbm>>
      %dma_wait3A_47 = arith.constant 0 : i32
      %dma_wait3A_48 = tpu.memref_slice %arg5[%add3A_40, %dma_wait3A_47] : memref<4096x1024xf32, #tpu.memory_space<hbm>> -> memref<32x1024xf32, #tpu.memory_space<hbm>>
      tpu.wait_dma2 semaphore(%arg13 : memref<!tpu.dma_semaphore, #tpu.memory_space<semaphore_mem>>) src(%arg9 : memref<32x1024xf32, #tpu.memory_space<vmem>>) dst(%dma_wait3A_48 : memref<32x1024xf32, #tpu.memory_space<hbm>>)
      %dma_start3A_49 = arith.constant 96 : i32
      %dma_start3A_50 = tpu.memref_slice %arg7[%dma_start3A_49] : memref<128xi32, #tpu.memory_space<vmem>> -> memref<32xi32, #tpu.memory_space<vmem>>
      %dma_start3A_51 = arith.constant 0 : i32
      %dma_start3A_52 = arith.constant 0 : i32
      %dma_start3A_53 = tpu.memref_slice %arg2[%dma_start3A_51, %dma_start3A_52] : memref<8192x1024xf32, #tpu.memory_space<hbm>> -> memref<8192x1024xf32, #tpu.memory_space<hbm>>
      tpu.enqueue_indirect_dma source(%dma_start3A_53 : memref<8192x1024xf32, #tpu.memory_space<hbm>>) target(%arg9 : memref<32x1024xf32, #tpu.memory_space<vmem>>) offsets(%dma_start3A_50 : memref<32xi32, #tpu.memory_space<vmem>>) semaphore(%arg11 : memref<!tpu.dma_semaphore, #tpu.memory_space<semaphore_mem>>)
      %dma_wait3A_54 = arith.constant 64 : i32
      %dma_wait3A_55 = tpu.memref_slice %arg7[%dma_wait3A_54] : memref<128xi32, #tpu.memory_space<vmem>> -> memref<32xi32, #tpu.memory_space<vmem>>
      %dma_wait3A_56 = arith.constant 0 : i32
      %dma_wait3A_57 = arith.constant 0 : i32
      %dma_wait3A_58 = tpu.memref_slice %arg2[%dma_wait3A_56, %dma_wait3A_57] : memref<8192x1024xf32, #tpu.memory_space<hbm>> -> memref<8192x1024xf32, #tpu.memory_space<hbm>>
      tpu.wait_indirect_dma semaphore(%arg10 : memref<!tpu.dma_semaphore, #tpu.memory_space<semaphore_mem>>) src(%dma_wait3A_58 : memref<8192x1024xf32, #tpu.memory_space<hbm>>) dst(%arg8 : memref<32x1024xf32, #tpu.memory_space<vmem>>)
      %add3A_59 = arith.constant 64 : i32
      %add3A_60 = arith.addi %mul3A_2, %add3A_59 : i32
      %dma_start3A_61 = arith.constant 0 : i32
      %dma_start3A_62 = tpu.memref_slice %arg5[%add3A_60, %dma_start3A_61] : memref<4096x1024xf32, #tpu.memory_space<hbm>> -> memref<32x1024xf32, #tpu.memory_space<hbm>>
      %dma_start3A_63 = arith.constant 0 : i32
      %dma_start3A_64 = tpu.memref_slice %arg5[%add3A_60, %dma_start3A_63] : memref<4096x1024xf32, #tpu.memory_space<hbm>> -> memref<32x1024xf32, #tpu.memory_space<hbm>>
      tpu.enqueue_dma source(%arg8 : memref<32x1024xf32, #tpu.memory_space<vmem>>) target(%dma_start3A_64 : memref<32x1024xf32, #tpu.memory_space<hbm>>) target_semaphore(%arg12 : memref<!tpu.dma_semaphore, #tpu.memory_space<semaphore_mem>>)
      %dma_wait3A_65 = arith.constant 96 : i32
      %dma_wait3A_66 = tpu.memref_slice %arg7[%dma_wait3A_65] : memref<128xi32, #tpu.memory_space<vmem>> -> memref<32xi32, #tpu.memory_space<vmem>>
      %dma_wait3A_67 = arith.constant 0 : i32
      %dma_wait3A_68 = arith.constant 0 : i32
      %dma_wait3A_69 = tpu.memref_slice %arg2[%dma_wait3A_67, %dma_wait3A_68] : memref<8192x1024xf32, #tpu.memory_space<hbm>> -> memref<8192x1024xf32, #tpu.memory_space<hbm>>
      tpu.wait_indirect_dma semaphore(%arg11 : memref<!tpu.dma_semaphore, #tpu.memory_space<semaphore_mem>>) src(%dma_wait3A_69 : memref<8192x1024xf32, #tpu.memory_space<hbm>>) dst(%arg9 : memref<32x1024xf32, #tpu.memory_space<vmem>>)
      %add3A_70 = arith.constant 96 : i32
      %add3A_71 = arith.addi %mul3A_2, %add3A_70 : i32
      %dma_start3A_72 = arith.constant 0 : i32
      %dma_start3A_73 = tpu.memref_slice %arg5[%add3A_71, %dma_start3A_72] : memref<4096x1024xf32, #tpu.memory_space<hbm>> -> memref<32x1024xf32, #tpu.memory_space<hbm>>
      %dma_start3A_74 = arith.constant 0 : i32
      %dma_start3A_75 = tpu.memref_slice %arg5[%add3A_71, %dma_start3A_74] : memref<4096x1024xf32, #tpu.memory_space<hbm>> -> memref<32x1024xf32, #tpu.memory_space<hbm>>
      tpu.enqueue_dma source(%arg9 : memref<32x1024xf32, #tpu.memory_space<vmem>>) target(%dma_start3A_75 : memref<32x1024xf32, #tpu.memory_space<hbm>>) target_semaphore(%arg13 : memref<!tpu.dma_semaphore, #tpu.memory_space<semaphore_mem>>)
      %dma_wait3A_76 = arith.constant 0 : i32
      %dma_wait3A_77 = tpu.memref_slice %arg5[%add3A_60, %dma_wait3A_76] : memref<4096x1024xf32, #tpu.memory_space<hbm>> -> memref<32x1024xf32, #tpu.memory_space<hbm>>
      %dma_wait3A_78 = arith.constant 0 : i32
      %dma_wait3A_79 = tpu.memref_slice %arg5[%add3A_60, %dma_wait3A_78] : memref<4096x1024xf32, #tpu.memory_space<hbm>> -> memref<32x1024xf32, #tpu.memory_space<hbm>>
      tpu.wait_dma2 semaphore(%arg12 : memref<!tpu.dma_semaphore, #tpu.memory_space<semaphore_mem>>) src(%arg8 : memref<32x1024xf32, #tpu.memory_space<vmem>>) dst(%dma_wait3A_79 : memref<32x1024xf32, #tpu.memory_space<hbm>>)
      %dma_wait3A_80 = arith.constant 0 : i32
      %dma_wait3A_81 = tpu.memref_slice %arg5[%add3A_71, %dma_wait3A_80] : memref<4096x1024xf32, #tpu.memory_space<hbm>> -> memref<32x1024xf32, #tpu.memory_space<hbm>>
      %dma_wait3A_82 = arith.constant 0 : i32
      %dma_wait3A_83 = tpu.memref_slice %arg5[%add3A_71, %dma_wait3A_82] : memref<4096x1024xf32, #tpu.memory_space<hbm>> -> memref<32x1024xf32, #tpu.memory_space<hbm>>
      tpu.wait_dma2 semaphore(%arg13 : memref<!tpu.dma_semaphore, #tpu.memory_space<semaphore_mem>>) src(%arg9 : memref<32x1024xf32, #tpu.memory_space<vmem>>) dst(%dma_wait3A_83 : memref<32x1024xf32, #tpu.memory_space<hbm>>)
    } else {
    }
    return
  }
}

module attributes {stable_mosaic.version = 14 : i64} {
  func.func @_ffn_body(%arg0: i32, %arg1: i32, %arg2: memref<16xi32, #tpu.memory_space<smem>>, %arg3: memref<16xi32, #tpu.memory_space<smem>>, %arg4: memref<16x2xi32, #tpu.memory_space<smem>>, %arg5: memref<16xi32, #tpu.memory_space<smem>>, %arg6: memref<32x128xi32, #tpu.memory_space<vmem>>, %arg7: memref<512x1024xf32, #tpu.memory_space<vmem>>, %arg8: memref<1x2048x1024xf32, #tpu.memory_space<vmem>>, %arg9: memref<1x1024x2048xf32, #tpu.memory_space<vmem>>, %arg10: memref<512x1024xf32, #tpu.memory_space<vmem>>, %arg11: memref<1x8xf32, #tpu.memory_space<vmem>>) attributes {dimension_semantics = [#tpu.dimension_semantics<arbitrary>, #tpu.dimension_semantics<arbitrary>], iteration_bounds = array<i64: 16, 2>, scalar_prefetch = 4 : i64, scratch_operands = 0 : i64, tpu.core_type = #tpu.core_type<tc>, window_params = [{pipeline_mode = #tpu.pipeline_mode<synchronous>, transform_indices = @transform_0, window_bounds = array<i64: 32, 128>}, {transform_indices = @transform_1, window_bounds = array<i64: 512, 1024>}, {transform_indices = @transform_2, window_bounds = array<i64: 1, 2048, 1024>}, {transform_indices = @transform_3, window_bounds = array<i64: 1, 1024, 2048>}, {transform_indices = @transform_4, window_bounds = array<i64: 512, 1024>}, {pipeline_mode = #tpu.pipeline_mode<synchronous>, transform_indices = @transform_5, window_bounds = array<i64: 1, 8>}]} {
    %eq3A = arith.constant 0 : i32
    %eq3A_0 = arith.cmpi eq, %arg0, %eq3A : i32
    %eq3A_1 = arith.constant 0 : i32
    %eq3A_2 = arith.cmpi eq, %arg1, %eq3A_1 : i32
    %and3A = arith.andi %eq3A_0, %eq3A_2 : i1
    %convert_element_type3A = arith.extui %and3A : i1 to i32
    %cond3A = arith.constant 0 : i32
    %cond3A_3 = arith.cmpi ne, %convert_element_type3A, %cond3A : i32
    scf.if %cond3A_3 {
      %get3A_9 = arith.constant 0 : index
      %get3A_10 = arith.constant 0 : index
      %get3A_11 = vector.load %arg6[%get3A_9, %get3A_10] : memref<32x128xi32, #tpu.memory_space<vmem>>, vector<32x128xi32>
      %iota3A = tpu.iota {dimensions = array<i32: 0>} : vector<8x32x128xi32>
      %broadcast_in_dim3A = vector.shape_cast %get3A_11 : vector<32x128xi32> to vector<1x32x128xi32>
      %eq3A_12 = vector.broadcast %broadcast_in_dim3A : vector<1x32x128xi32> to vector<8x32x128xi32>
      %eq3A_13 = arith.cmpi eq, %eq3A_12, %iota3A : vector<8x32x128xi32>
      %convert_element_type3A_14 = arith.extui %eq3A_13 : vector<8x32x128xi1> to vector<8x32x128xi32>
      %convert_element_type3A_15 = arith.sitofp %convert_element_type3A_14 : vector<8x32x128xi32> to vector<8x32x128xf32>
      %reduce_sum3A = arith.constant dense<0.000000e+00> : vector<8xf32>
      %reduce_sum3A_16 = vector.multi_reduction <add>, %convert_element_type3A_15, %reduce_sum3A [1, 2] : vector<8x32x128xf32> to vector<8xf32>
      %div3A = arith.constant 2.048000e+03 : f32
      %div3A_17 = vector.broadcast %div3A : f32 to vector<8xf32>
      %div3A_18 = arith.divf %reduce_sum3A_16, %div3A_17 : vector<8xf32>
      %broadcast_in_dim3A_19 = vector.shape_cast %div3A_18 : vector<8xf32> to vector<1x8xf32>
      %swap3A = arith.constant 0 : index
      %swap3A_20 = arith.constant 0 : index
      %swap3A_21 = vector.load %arg11[%swap3A, %swap3A_20] : memref<1x8xf32, #tpu.memory_space<vmem>>, vector<1x8xf32>
      tpu.vector_store %arg11[%swap3A, %swap3A_20], %broadcast_in_dim3A_19 {strides = array<i32>} : memref<1x8xf32, #tpu.memory_space<vmem>>, vector<1x8xf32>,
    } else {
    }
    %get3A = arith.index_cast %arg0 : i32 to index
    %get3A_4 = memref.load %arg3[%get3A] : memref<16xi32, #tpu.memory_space<smem>>
    %gt3A = arith.constant 0 : i32
    %gt3A_5 = arith.cmpi sgt, %get3A_4, %gt3A : i32
    %convert_element_type3A_6 = arith.extui %gt3A_5 : i1 to i32
    %cond3A_7 = arith.constant 0 : i32
    %cond3A_8 = arith.cmpi ne, %convert_element_type3A_6, %cond3A_7 : i32
    scf.if %cond3A_8 {
      %get3A_9 = arith.constant 0 : index
      %get3A_10 = arith.constant 0 : index
      %get3A_11 = vector.load %arg7[%get3A_9, %get3A_10] : memref<512x1024xf32, #tpu.memory_space<vmem>>, vector<512x1024xf32>
      %convert_element_type3A_12 = arith.truncf %get3A_11 : vector<512x1024xf32> to vector<512x1024xbf16>
      %get3A_13 = arith.constant 0 : index
      %get3A_14 = arith.constant 0 : index
      %get3A_15 = arith.constant 0 : index
      %get3A_16 = vector.load %arg8[%get3A_13, %get3A_14, %get3A_15] : memref<1x2048x1024xf32, #tpu.memory_space<vmem>>, vector<1x2048x1024xf32>
      %get3A_17 = vector.shape_cast %get3A_16 : vector<1x2048x1024xf32> to vector<2048x1024xf32>
      %convert_element_type3A_18 = arith.truncf %get3A_17 : vector<2048x1024xf32> to vector<2048x1024xbf16>
      %dot_general3A = arith.constant dense<0.000000e+00> : vector<512x2048xf32>
      %dot_general3A_19 = tpu.matmul %convert_element_type3A_12, %convert_element_type3A_18, %dot_general3A {dimension_numbers = #tpu.dot_dimension_numbers<[1], [1], [0], [0], [0, 0, 1, 0], [], []>, transpose_lhs_hint = false} : vector<512x1024xbf16>, vector<2048x1024xbf16>, vector<512x2048xf32> -> vector<512x2048xf32>
      %mul3A = arith.constant 5.000000e-01 : f32
      %mul3A_20 = vector.broadcast %mul3A : f32 to vector<512x2048xf32>
      %mul3A_21 = arith.mulf %mul3A_20, %dot_general3A_19 : vector<512x2048xf32>
      %mul3A_22 = arith.constant 0.707106769 : f32
      %mul3A_23 = vector.broadcast %mul3A_22 : f32 to vector<512x2048xf32>
      %mul3A_24 = arith.mulf %dot_general3A_19, %mul3A_23 : vector<512x2048xf32>
      %erf3A = math.erf %mul3A_24 : vector<512x2048xf32>
      %add3A = arith.constant 1.000000e+00 : f32
      %add3A_25 = vector.broadcast %add3A : f32 to vector<512x2048xf32>
      %add3A_26 = arith.addf %add3A_25, %erf3A : vector<512x2048xf32>
      %mul3A_27 = arith.mulf %mul3A_21, %add3A_26 : vector<512x2048xf32>
      %get3A_28 = arith.constant 0 : index
      %get3A_29 = arith.constant 0 : index
      %get3A_30 = arith.constant 0 : index
      %get3A_31 = vector.load %arg9[%get3A_28, %get3A_29, %get3A_30] : memref<1x1024x2048xf32, #tpu.memory_space<vmem>>, vector<1x1024x2048xf32>
      %get3A_32 = vector.shape_cast %get3A_31 : vector<1x1024x2048xf32> to vector<1024x2048xf32>
      %convert_element_type3A_33 = arith.truncf %get3A_32 : vector<1024x2048xf32> to vector<1024x2048xbf16>
      %convert_element_type3A_34 = arith.truncf %mul3A_27 : vector<512x2048xf32> to vector<512x2048xbf16>
      %dot_general3A_35 = arith.constant dense<0.000000e+00> : vector<512x1024xf32>
      %dot_general3A_36 = tpu.matmul %convert_element_type3A_34, %convert_element_type3A_33, %dot_general3A_35 {dimension_numbers = #tpu.dot_dimension_numbers<[1], [1], [0], [0], [0, 0, 1, 0], [], []>, transpose_lhs_hint = false} : vector<512x2048xbf16>, vector<1024x2048xbf16>, vector<512x1024xf32> -> vector<512x1024xf32>
      %eq3A_37 = arith.constant 0 : i32
      %eq3A_38 = arith.cmpi eq, %arg1, %eq3A_37 : i32
      %convert_element_type3A_39 = arith.extui %eq3A_38 : i1 to i32
      %cond3A_40 = arith.constant 0 : i32
      %cond3A_41 = arith.cmpi ne, %convert_element_type3A_39, %cond3A_40 : i32
      scf.if %cond3A_41 {
        %swap3A = arith.constant 0 : index
        %swap3A_47 = arith.constant 0 : index
        %swap3A_48 = vector.load %arg10[%swap3A, %swap3A_47] : memref<512x1024xf32, #tpu.memory_space<vmem>>, vector<512x1024xf32>
        tpu.vector_store %arg10[%swap3A, %swap3A_47], %dot_general3A_36 {strides = array<i32>} : memref<512x1024xf32, #tpu.memory_space<vmem>>, vector<512x1024xf32>,
      } else {
      }
      %gt3A_42 = arith.constant 0 : i32
      %gt3A_43 = arith.cmpi sgt, %arg1, %gt3A_42 : i32
      %convert_element_type3A_44 = arith.extui %gt3A_43 : i1 to i32
      %cond3A_45 = arith.constant 0 : i32
      %cond3A_46 = arith.cmpi ne, %convert_element_type3A_44, %cond3A_45 : i32
      scf.if %cond3A_46 {
        %get3A_47 = arith.constant 0 : index
        %get3A_48 = arith.constant 0 : index
        %get3A_49 = vector.load %arg10[%get3A_47, %get3A_48] : memref<512x1024xf32, #tpu.memory_space<vmem>>, vector<512x1024xf32>
        %add3A_50 = arith.addf %get3A_49, %dot_general3A_36 : vector<512x1024xf32>
        %swap3A = arith.constant 0 : index
        %swap3A_51 = arith.constant 0 : index
        %swap3A_52 = vector.load %arg10[%swap3A, %swap3A_51] : memref<512x1024xf32, #tpu.memory_space<vmem>>, vector<512x1024xf32>
        tpu.vector_store %arg10[%swap3A, %swap3A_51], %add3A_50 {strides = array<i32>} : memref<512x1024xf32, #tpu.memory_space<vmem>>, vector<512x1024xf32>,
      } else {
      }
    } else {
    }
    return
  }
  func.func @transform_0(%arg0: i32, %arg1: i32, %arg2: memref<16xi32, #tpu.memory_space<smem>>, %arg3: memref<16xi32, #tpu.memory_space<smem>>, %arg4: memref<16x2xi32, #tpu.memory_space<smem>>, %arg5: memref<16xi32, #tpu.memory_space<smem>>) -> (i32, i32) {
    %c0_i32 = arith.constant 0 : i32
    %c0_i32_0 = arith.constant 0 : i32
    %c0_i32_1 = arith.constant 0 : i32
    return %c0_i32, %c0_i32_0 : i32, i32
  }
  func.func @transform_1(%arg0: i32, %arg1: i32, %arg2: memref<16xi32, #tpu.memory_space<smem>>, %arg3: memref<16xi32, #tpu.memory_space<smem>>, %arg4: memref<16x2xi32, #tpu.memory_space<smem>>, %arg5: memref<16xi32, #tpu.memory_space<smem>>) -> (i32, i32) {
    %get3A = arith.index_cast %arg0 : i32 to index
    %get3A_0 = memref.load %arg5[%get3A] : memref<16xi32, #tpu.memory_space<smem>>
    %c0_i32 = arith.constant 0 : i32
    %c0_i32_1 = arith.constant 0 : i32
    return %get3A_0, %c0_i32 : i32, i32
  }
  func.func @transform_2(%arg0: i32, %arg1: i32, %arg2: memref<16xi32, #tpu.memory_space<smem>>, %arg3: memref<16xi32, #tpu.memory_space<smem>>, %arg4: memref<16x2xi32, #tpu.memory_space<smem>>, %arg5: memref<16xi32, #tpu.memory_space<smem>>) -> (i32, i32, i32) {
    %get3A = arith.index_cast %arg0 : i32 to index
    %get3A_0 = memref.load %arg2[%get3A] : memref<16xi32, #tpu.memory_space<smem>>
    %get3A_1 = arith.index_cast %arg0 : i32 to index
    %get3A_2 = arith.index_cast %arg1 : i32 to index
    %get3A_3 = memref.load %arg4[%get3A_1, %get3A_2] : memref<16x2xi32, #tpu.memory_space<smem>>
    %c0_i32 = arith.constant 0 : i32
    %c0_i32_4 = arith.constant 0 : i32
    return %get3A_0, %get3A_3, %c0_i32 : i32, i32, i32
  }
  func.func @transform_3(%arg0: i32, %arg1: i32, %arg2: memref<16xi32, #tpu.memory_space<smem>>, %arg3: memref<16xi32, #tpu.memory_space<smem>>, %arg4: memref<16x2xi32, #tpu.memory_space<smem>>, %arg5: memref<16xi32, #tpu.memory_space<smem>>) -> (i32, i32, i32) {
    %get3A = arith.index_cast %arg0 : i32 to index
    %get3A_0 = memref.load %arg2[%get3A] : memref<16xi32, #tpu.memory_space<smem>>
    %get3A_1 = arith.index_cast %arg0 : i32 to index
    %get3A_2 = arith.index_cast %arg1 : i32 to index
    %get3A_3 = memref.load %arg4[%get3A_1, %get3A_2] : memref<16x2xi32, #tpu.memory_space<smem>>
    %c0_i32 = arith.constant 0 : i32
    %c0_i32_4 = arith.constant 0 : i32
    return %get3A_0, %c0_i32, %get3A_3 : i32, i32, i32
  }
  func.func @transform_4(%arg0: i32, %arg1: i32, %arg2: memref<16xi32, #tpu.memory_space<smem>>, %arg3: memref<16xi32, #tpu.memory_space<smem>>, %arg4: memref<16x2xi32, #tpu.memory_space<smem>>, %arg5: memref<16xi32, #tpu.memory_space<smem>>) -> (i32, i32) {
    %get3A = arith.index_cast %arg0 : i32 to index
    %get3A_0 = memref.load %arg5[%get3A] : memref<16xi32, #tpu.memory_space<smem>>
    %c0_i32 = arith.constant 0 : i32
    %c0_i32_1 = arith.constant 0 : i32
    return %get3A_0, %c0_i32 : i32, i32
  }
  func.func @transform_5(%arg0: i32, %arg1: i32, %arg2: memref<16xi32, #tpu.memory_space<smem>>, %arg3: memref<16xi32, #tpu.memory_space<smem>>, %arg4: memref<16x2xi32, #tpu.memory_space<smem>>, %arg5: memref<16xi32, #tpu.memory_space<smem>>) -> (i32, i32) {
    %c0_i32 = arith.constant 0 : i32
    %c0_i32_0 = arith.constant 0 : i32
    %c0_i32_1 = arith.constant 0 : i32
    return %c0_i32, %c0_i32_0 : i32, i32
  }
}

</mosaic_0001>

<sc_bundles>
// kernel: kernel.5.cloned.1.call-start
scs
__scs_entry_jumppad:
0x0: {  	(pc) =	sbr.rel $0x88, $3  }
0x1: {  	(tag) =	ssettag $0x0;
	lr =	simm.s32 $0x1  }
0x2: {  	[smem:$0x3F9D] =	sst lr;
	_ =	strace $0xD0000000  }
0x3: {  	_ = 	snop  }
0x4: {  	_ = 	snop  }
0x5: {  	_ = 	snop  }
0x6: {  	_ = 	snop  }
0x7: {  	_ = 	snop  }
__scs_overlays_trampoline_lowered:
0x8: {  	[smem:$0x3FAC] =	sst s0  }
0x9: {  	[smem:$0x3FAD] =	sst s1  }
0xa: {  	[smem:$0x3FAE] =	sst s2  }
0xb: {  	[smem:$0x3FAF] =	sst s3  }
0xc: {  	[smem:$0x3FB0] =	sst s4  }
0xd: {  	[smem:$0x3FB1] =	sst s5  }
0xe: {  	[smem:$0x3FB2] =	sst s6  }
0xf: {  	[smem:$0x3FB3] =	sst s7  }
0x10: {  	[smem:$0x3FB4] =	sst s8  }
0x11: {  	[smem:$0x3FB5] =	sst s9;
	s0 =	simm.s32 @!p0 $0x0  }
0x12: {  	s1 =	sld [smem:$0x3F9B];
	s0 =	simm.s32 @p0 $0x1  }
0x13: {  	[smem:$0x3FB6] =	sst s0;
	s0 =	simm.s32 @!p1 $0x0  }
0x14: {  	s2 =	sld [smem:$0x3F9A];
	s0 =	simm.s32 @p1 $0x1  }
0x15: {  	[smem:$0x3FB7] =	sst s0;
	s0 =	simm.s32 @!p2 $0x0  }
0x16: {  	s3 =	sld [smem:$0x3FDB];
	s0 =	simm.s32 @p2 $0x1  }
0x17: {  	s4 =	simm.s32 $0x1BF5;
	[smem:$0x3FB9] =	sst s0  }
0x18: {  	s0 =	sld [smem:$0x3F9C];
	_ =	swait.ge [sflag:s4], $0x0  }
0x19: {  	s7 =	sld [smem:$0x3F9D]  }
0x1a: {  	s8 =	sadd.s32 $0xFFFFE003, lr  }
0x1b: {  	s9 =	sadd.s32 $0xFFFFFEF7, lr;
	s5 =	simm.s32 $0xFFFFFFFF;
	p2 =	slt.u32 s8, $0xFFFFF086  }
0x1c: {  	p1 =	slt.u32 s9, $0xF7A;
	s5 =	simm.s32 @!p2 $0x0  }
0x1d: {  	s5 =	simm.s32 @p1 $0x1;
	p0 =	seq.s32 s7, s2  }
0x1e: {  	s7 =	smul.u32 @!p0 $0xF7A, s2;
	p2 =	seq.s32 @!p0 s5, $0x0  }
0x1f: {  	s9 =	smul.u32 $0xF7A, s1;
	s8 =	simm.s32 @!p0 $0x1BF5;
	p2 =	por !p2, p0  }
0x20: {  	[sflag:s8] =	ssyncset.s32 @!p0 $0xFFFFF086;
	s6 =	sadd.s32 @!p0 s3, s7;
	s7 =	simm.s32 @!p0 $0x108  }
0x21: {  	s3 =	sadd.s32 s3, s9;
	s6 =	sadd.s32 @!p0 $0x88, s6;
	s7 =	simm.s32 @p2 $0x1082  }
0x22: {  	[simem:s7], [sflag:s8] =	dma.local @!p0 [hbm:s6], $0xF7A  }
0x23: {  	s9 =	sor.u32 $0xD0000000, s2;
	s6 =	simm.s32 $0x108;
	_ =	swait.ge @!p0 [sflag:s8], $0x0  }
0x24: {  	s3 =	sadd.s32 $0x88, s3;
	s6 =	simm.s32 @!p1 $0x1082;
	[sflag:s4] =	ssyncset.s32 $0xFFFFF086  }
0x25: {  	[simem:s6], [sflag:s4] =	dma.local [hbm:s3], $0xF7A  }
0x26: {  	[smem:$0x3F9D] =	sst s1;
	(tag) =	ssettag s2;
	_ =	strace s9  }
0x27: {  	s1 =	sld [smem:$0x3FAD]  }
0x28: {  	s2 =	sld [smem:$0x3FAE]  }
0x29: {  	s4 =	sld [smem:$0x3FB0]  }
0x2a: {  	p0 =	seq.s32 s5, $0x0;
	s5 =	sld [smem:$0x3FB1]  }
0x2b: {  	s6 =	sld [smem:$0x3FB2]  }
0x2c: {  	s7 =	sld [smem:$0x3FB3]  }
0x2d: {  	s3 =	simm.s32 $0x108;
	s8 =	sld [smem:$0x3FB4]  }
0x2e: {  	s3 =	simm.s32 @!p0 $0x1082;
	s9 =	sld [smem:$0x3FB5]  }
0x2f: {  	lr =	sadd.s32 s0, s3;
	s0 =	sld [smem:$0x3FAC]  }
0x30: {  	s3 =	sld [smem:$0x3FAF]  }
0x31: {  	[smem:$0x3FB8] =	sst s10  }
0x32: {  	s10 =	sld [smem:$0x3FB6];
	_ =	sdelay $0x3  }
0x33: {  	p0 =	seq.s32 s10, $0x1;
	s10 =	sld [smem:$0x3FB8];
	_ =	sdelay $0x3  }
0x34: {  	[smem:$0x3FB8] =	sst s10  }
0x35: {  	s10 =	sld [smem:$0x3FB7];
	_ =	sdelay $0x3  }
0x36: {  	p1 =	seq.s32 s10, $0x1;
	s10 =	sld [smem:$0x3FB8];
	_ =	sdelay $0x3  }
0x37: {  	[smem:$0x3FB8] =	sst s10  }
0x38: {  	s10 =	sld [smem:$0x3FB9]  }
0x39: {  	_ = 	snop;
	(pc) =	sbr.ind lr, $3  }
0x3a: {  	_ = 	snop  }
0x3b: {  	_ = 	snop  }
0x3c: {  	p2 =	seq.s32 s10, $0x1;
	s10 =	sld [smem:$0x3FB8]  }
0x3d: {  	_ =	shalt  }
0x3e: {  	_ =	shalt  }
0x3f: {  	_ =	shalt  }
0x40: {  	_ =	shalt  }
0x41: {  	_ =	shalt  }
0x42: {  	_ =	shalt  }
0x43: {  	_ =	shalt  }
0x44: {  	_ =	shalt  }
0x45: {  	_ =	shalt  }
0x46: {  	_ =	shalt  }
0x47: {  	_ =	shalt  }
0x48: {  	_ =	shalt  }
0x49: {  	_ =	shalt  }
0x4a: {  	_ =	shalt  }
0x4b: {  	_ =	shalt  }
0x4c: {  	_ =	shalt  }
0x4d: {  	_ =	shalt  }
0x4e: {  	_ =	shalt  }
0x4f: {  	_ =	shalt  }
0x50: {  	_ =	shalt  }
0x51: {  	_ =	shalt  }
0x52: {  	_ =	shalt  }
0x53: {  	_ =	shalt  }
0x54: {  	_ =	shalt  }
0x55: {  	_ =	shalt  }
0x56: {  	_ =	shalt  }
0x57: {  	_ =	shalt  }
0x58: {  	_ =	shalt  }
0x59: {  	_ =	shalt  }
0x5a: {  	_ =	shalt  }
0x5b: {  	_ =	shalt  }
0x5c: {  	_ =	shalt  }
0x5d: {  	_ =	shalt  }
0x5e: {  	_ =	shalt  }
0x5f: {  	_ =	shalt  }
0x60: {  	_ =	shalt  }
0x61: {  	_ =	shalt  }
0x62: {  	_ =	shalt  }
0x63: {  	_ =	shalt  }
0x64: {  	_ =	shalt  }
0x65: {  	_ =	shalt  }
0x66: {  	_ =	shalt  }
0x67: {  	_ =	shalt  }
0x68: {  	_ =	shalt  }
0x69: {  	_ =	shalt  }
0x6a: {  	_ =	shalt  }
0x6b: {  	_ =	shalt  }
0x6c: {  	_ =	shalt  }
0x6d: {  	_ =	shalt  }
0x6e: {  	_ =	shalt  }
0x6f: {  	_ =	shalt  }
0x70: {  	_ =	shalt  }
0x71: {  	_ =	shalt  }
0x72: {  	_ =	shalt  }
0x73: {  	_ =	shalt  }
0x74: {  	_ =	shalt  }
0x75: {  	_ =	shalt  }
0x76: {  	_ =	shalt  }
0x77: {  	_ =	shalt  }
0x78: {  	_ =	shalt  }
0x79: {  	_ =	shalt  }
0x7a: {  	_ =	shalt  }
0x7b: {  	_ =	shalt  }
0x7c: {  	_ =	shalt  }
0x7d: {  	_ =	shalt  }
0x7e: {  	_ =	shalt  }
0x7f: {  	_ =	shalt  }
0x80: {  	_ =	shalt  }
0x81: {  	_ =	shalt  }
0x82: {  	_ =	shalt  }
0x83: {  	_ =	shalt  }
0x84: {  	_ =	shalt  }
0x85: {  	_ =	shalt  }
0x86: {  	_ =	shalt  }
0x87: {  	_ =	shalt  }
.Lfunc_end0:
.L_simem_size_0:
called_computation_lowered:
.L_overlay_start_0:
0x88: {  	s2 =	sld [smem:$0x3FD9]  }
0x89: {  	s3 =	sld [smem:$0x3FFE];
	_ =	sdelay $0x1  }
0x8a: {  	s1 =	srdreg.scid  }
0x8b: {  	s0 =	sand.u32 $0x1, s1  }
0x8c: {  	s14 =	sshll.u32 s0, $0xA;
	s2 =	sadd.s32 s3, s2  }
0x8d: {  	s2 =	sadd.s32 s2, s14  }
0x8e: {  	[smem:$0x3FC4] =	sst s2  }
0x8f: {  	_ = 	snop  }
0x90: {  	s2 =	sld [smem:$0x3FD0];
	_ =	sdelay $0x2  }
0x91: {  	s4 =	simm.s32 $0xA;
	s5 =	simm.s32 $0x10;
	s15 =	sld [smem:$0x3FC9]  }
0x92: {  	[smem:s5], [sflag:s4] =	dma.local [hbm:s2], $0x1  }
0x93: {  	_ =	swait.eq [sflag:s4], $0x1  }
0x94: {  	[sflag:s4] =	ssyncset.done $0x0  }
0x95: {  	[sflag:s4] =	ssyncadd.s32 $0xFFFFFFFF  }
0x96: {  	s16 =	sld [smem:$0x10];
	(tm) =	ssettm $0x1  }
0x97: {  	s17 =	sld [smem:$0x3FFB];
	_ =	sdelay $0x3  }
0x98: {  	_ =	strace s17  }
0x99: {  	s4 =	sld [smem:$0x3FFC];
	_ =	sdelay $0x3  }
0x9a: {  	_ =	strace s4  }
0x9b: {  	s4 =	sld [smem:$0x3FFD];
	_ =	sdelay $0x3  }
0x9c: {  	_ =	strace s4  }
0x9d: {  	_ =	strace $0x8FFFFFFF  }
0x9e: {  	s18 =	sld [smem:$0x3FDB];
	_ =	sdelay $0x1  }
0x9f: {  	s19 =	simm.s32 $_scs_section_size  }
0xa0: {  	s6 =	simm.s32 $_size__tile_overlayer_lowered;
	s7 =	simm.s32 $_tile_overlayer_lowered  }
0xa1: {  	s22 =	simm.s32 $0x1BFF;
	s21 =	sshll.u32 s7, $0x1;
	s4 =	sadd.s32 s19, s18  }
0xa2: {  	s8 =	simm.s32 $0x0;
	s20 =	sshll.u32 s6, $0x1;
	s6 =	sadd.s32 s21, s4  }
0xa3: {  	[timem:s8], [sflag:s22] =	dma.local [hbm:s6], s20  }
0xa4: {  	_ =	swait.ge [sflag:s22], s20  }
0xa5: {  	s5 =	ssub.s32 $0x0, s20;
	[sflag:s22] =	ssyncset.done $0x0  }
0xa6: {  	[sflag:s22] =	ssyncadd.s32 s5;
	_ =	sdelay $0x1  }
0xa7: {  	s23 =	simm.s32 $0x1B8B  }
0xa8: {  	_ =	swait.ge [sflag:s23], $0x1  }
0xa9: {  	[sflag:s23] =	ssyncset.done $0x0  }
0xaa: {  	s25 =	simm.s32 $0x1B8E;
	s24 =	sld [smem:$0x3FFE];
	[sflag:s23] =	ssyncadd.s32 $0xFFFFFFFF  }
0xab: {  	s26 =	simm.s32 $execute0_lowered;
	[smem:$0x3FD2] =	sst s25  }
0xac: {  	s6 =	sshll.u32 s26, $0x1;
	_ =	strace $0x80000046;
	[dreg:$0x1] =	wrdreg $0xFFFFFFFF  }
0xad: {  	s28 =	simm.s32 $_size_execute0_lowered;
	s4 =	sadd.s32 s4, s6;
	[dreg:$0x0] =	wrdreg $0x0  }
0xae: {  	s6 =	sshll.u32 s28, $0x1;
	[dreg:$0x2] =	wrdreg s4  }
0xaf: {  	[dreg:$0x3] =	wrdreg s6  }
0xb0: {  	[dreg:$0x4] =	wrdreg $0xC0  }
0xb1: {  	_ =	task [dreg:s8], $0x5FFFF  }
0xb2: {  	[dreg:$0x1] =	wrdreg $0xFFFFFFFF  }
0xb3: {  	[dreg:$0x0] =	wrdreg $0x60  }
0xb4: {  	[dreg:$0x2] =	wrdreg s15  }
0xb5: {  	[dreg:$0x3] =	wrdreg s16  }
0xb6: {  	[dreg:$0x4] =	wrdreg s24  }
0xb7: {  	[dreg:$0x5] =	wrdreg $0x9  }
0xb8: {  	_ =	task.clear_ibuf [dreg:s8], $0x6FFFF;
	_ =	strace $0x90000046  }
0xb9: {  	s29 =	simm.s32 $0x9;
	_ =	strace $0x80000048  }
0xba: {  	_ =	swait.ge [sflag:s29], $0x1  }
0xbb: {  	[sflag:s29] =	ssyncadd.s32 $0xFFFFFFFF  }
0xbc: {  	_ =	strace $0x90000048  }
0xbd: {  	_ =	sfence  }
0xbe: {  	s30 =	sld [smem:$0x0];
	_ =	sdelay $0x2  }
0xbf: {  	s31 =	sshll.u32 s1, $0xD;
	s1 =	sshrl.u32 s1, $0x2  }
0xc0: {  	s3 =	sand.u32 $0x4000, s31;
	s1 =	sadd.s32 s1, s30  }
0xc1: {  	s0 =	sor.u32 s3, s0;
	s1 =	sshll.u32 s1, $0x11  }
0xc2: {  	s0 =	sor.u32 s1, s0  }
0xc3: {  	s0 =	sadd.s32 $0x8F2B, s0  }
0xc4: {  	[sflag:s0] =	ssyncadd.remote.s32 $0x1  }
0xc5: {  	_ =	sfence.sel $0xFFFF  }
0xc6: {  	[dreg:$0x0] =	wrdreg $0xFFFFFFFF;
	(pc) =	sbr.abs _section_cstart, $3  }
0xc7: {  	[dreg:$0x1] =	wrdreg $0xFFFFFFFF  }
0xc8: {  	_ =	task.clear_ibuf [dreg:s8], $0x2FFFF;
	_ =	strace $0x9FFFFFFF  }
0xc9: {  	(tm) =	ssettm $0x7FFFFFFF  }
tec
execute0_lowered:
.L_overlay_start_1:
0x0: {  	(tag) =	ssettag $0x1  }
0x1: {  	s1 =	rddreg [dreg:$0x0]  }
0x2: {  	s0 =	rddreg [dreg:$0x1]  }
0x3: {  	s2 =	rddreg [dreg:$0x2];
	s4 =	srdreg.scid;
	s3 =	simm.s32 $0x0  }
0x4: {  	s5 =	stileid.u32;
	s12 =	simm.s32 $0x8180;
	s31 =	simm.s32 $0x1  }
0x5: {  	s11 =	simm.s32 $0x1180;
	s13 =	simm.s32 $0x1980;
	s14 =	simm.s32 $0x2180  }
0x6: {  	s15 =	simm.s32 $0x2980;
	s28 =	simm.s32 $0x7180;
	s29 =	simm.s32 $0x7980  }
0x7: {  	s4 =	sand.u32 $0x1, s4;
	[smem:$0x7FF] =	sst s3;
	s5 =	sshll.u32 s5, $0x9  }
0x8: {  	s16 =	sadd.s32 $0x600, s2;
	s8 =	sadd.s32 $0x200, s1;
	s9 =	sadd.s32 $0x300, s1  }
0x9: {  	s6 =	sshll.u32 s4, $0x8;
	_ =	strace $0x80000047;
	s4 =	ssub.s32 $0x2, s4  }
0xa: {  	[dreg:$0x5] =	wrdreg s16;
	s16 =	simm.s32 $0x3180;
	s7 =	sor.u32 s6, s5  }
0xb: {  	s18 =	sshrl.u32 s4, $0x1;
	s17 =	sshll.u32 s7, $0x7;
	s19 =	sshrl.u32 s7, $0x3  }
0xc: {  	[dreg:$0x4] =	wrdreg s7;
	s2 =	sadd.s32 s17, s2;
	s0 =	sadd.s32 s0, s19  }
0xd: {  	s5 =	simm.s32 $0x4180;
	[dreg:$0x6] =	wrdreg s0;
	s20 =	sadd.s32 $0x800, s2  }
0xe: {  	s4 =	ssub.s32 s4, s18;
	s21 =	sadd.s32 $0x1800, s2;
	[dreg:$0x7] =	wrdreg s20  }
0xf: {  	s7 =	sadd.s32 $0x100, s1;
	s22 =	sadd.s32 $0x2800, s2;
	[dreg:$0x8] =	wrdreg s21  }
0x10: {  	s18 =	smax.u32 s4, $0x1;
	s23 =	sadd.s32 $0x3800, s2;
	[dreg:$0x9] =	wrdreg s22  }
0x11: {  	s19 =	simm.s32 $0x5;
	s24 =	sadd.s32 $0x4800, s2;
	[dreg:$0xa] =	wrdreg s23  }
0x12: {  	s17 =	simm.s32 $0x3980;
	s25 =	sadd.s32 $0x5800, s2;
	[dreg:$0xb] =	wrdreg s24  }
.Ltmp0:
0x13: {  	s26 =	sadd.s32 $0x6800, s2;
	[dreg:$0xc] =	wrdreg s25;
	(pc) =	sbr.rel .LBB2_1-.Ltmp0, $4  }
0x14: {  	s30 =	sadd.s32 $0x7800, s2;
	s0 =	simm.s32 $0x3;
	[dreg:$0xd] =	wrdreg s26  }
0x15: {  	v2 =	vlaneseq.u32;
	s2 =	simm.s32 $0x2;
	[dreg:$0xe] =	wrdreg s30;
	s21 =	simm.s32 $0x180  }
0x16: {  	vm0 =	vmmov $0xffff;
	v1 =	vshrl.u32 v2, $0x3;
	s20 =	simm.s32 $0x4;
	s22 =	simm.s32 $0x4980;
	s23 =	simm.s32 $0x5180  }
0x17: {  	v0 =	vand.u32 $0x7, v2;
	v2 =	vor.u32 $0x8, v2;
	v1 =	vmul.u32 $0x8, v1;
	s24 =	simm.s32 $0x5980;
	s25 =	simm.s32 $0x6180;
	s26 =	simm.s32 $0x6980  }
.LBB2_3:
0x18: {  	s18 =	sadd.s32 $0xFFFFFFFF, s18  }
0x19: {  	p0 =	sne.s32 s18, $0x0  }
.Ltmp1:
0x1a: {  	_ = 	snop;
	(pc) =	sbr.rel @!p0 .LBB2_4-.Ltmp1, $1  }
0x1b: {  	_ =	sdelay $0x3  }
.LBB2_1:
0x1c: {  	s6 =	rddreg [dreg:$0x5]  }
0x1d: {  	[tilespmem:s3], [sflag:$0x5] =	stream.linear.gather [hbm4b:s6+s3], $0x80, $0x38;
	[tilespmem:$0x10180] =	vst v63  }
0x1e: {  	_ =	swait.ge [sflag:s19], $0x80  }
0x1f: {  	[sflag:s19] =	ssyncset.done $0x0  }
0x20: {  	[sflag:s19] =	ssyncadd.s32 $0xFFFFFF80  }
0x21: {  	v3 =	vld.msk [tilespmem:$0x0], $0xff;
	_ =	sdelay $0x4  }
0x22: {  	(v2sf) =	vpush v3, $0x0;
	_ =	sdelay $0xe  }
0x23: {  	s10 =	rddreg [dreg:$0x4];
	s30 =	spop (v2sf)  }
0x24: {  	p0 =	sge.s32 s10, s30  }
.Ltmp2:
0x25: {  	_ = 	snop;
	(pc) =	sbr.rel @p0 .LBB2_3-.Ltmp2, $1  }
0x26: {  	_ =	sdelay $0x3  }
0x27: {  	s6 =	rddreg [dreg:$0x6];
	s10 =	simm.s32 $0x80  }
0x28: {  	[tilespmem:s10], [sflag:$0x5] =	stream.linear.gather [hbm4b:s6+s3], $0x100, $0x38;
	[tilespmem:$0x10180] =	vst v63  }
0x29: {  	_ =	swait.ge [sflag:s19], $0x100  }
0x2a: {  	[sflag:s19] =	ssyncset.done $0x0  }
0x2b: {  	[sflag:s19] =	ssyncadd.s32 $0xFFFFFF00  }
0x2c: {  	v3 =	vld [tilespmem:$0x80];
	_ =	sdelay $0x4  }
0x2d: {  	v4 =	vshll.u32 v3, $0x3  }
0x2e: {  	v3 =	vand.u32 $0x7, v3;
	v4 =	vand.u32 $0xFFFFFFC0, v4  }
0x2f: {  	v3 =	vor.u32 v3, v4  }
0x30: {  	v4 =	vperm.xlane v3, v0;
	_ =	sdelay $0x1  }
0x31: {  	v4 =	vadd.s32 v1, v4;
	_ =	sdelay $0x4  }
0x32: {  	[tilespmem:s21], [sflag:$0x1] =	stream.indirect_vreg.gather [hbm4b:s1+s3], $0x80, v4, vm0, $0xb8;
	[tilespmem:$0x10180] =	vst v63  }
0x33: {  	s10 =	simm.s32 $0x980;
	v3 =	vperm.xlane v3, v2  }
0x34: {  	[tilespmem:s10], [sflag:$0x1] =	stream.indirect_vreg.gather [hbm4b:s7+s3], $0x80, v4, vm0, $0xb8;
	[tilespmem:$0x10180] =	vst v63  }
0x35: {  	v3 =	vadd.s32 v1, v3  }
0x36: {  	[tilespmem:s11], [sflag:$0x1] =	stream.indirect_vreg.gather [hbm4b:s8+s3], $0x80, v4, vm0, $0xb8;
	[tilespmem:$0x10180] =	vst v63  }
0x37: {  	_ = 	snop  }
0x38: {  	[tilespmem:s13], [sflag:$0x1] =	stream.indirect_vreg.gather [hbm4b:s9+s3], $0x80, v4, vm0, $0xb8;
	[tilespmem:$0x10180] =	vst v63  }
0x39: {  	_ = 	snop  }
0x3a: {  	[tilespmem:s14], [sflag:$0x1] =	stream.indirect_vreg.gather [hbm4b:s1+s3], $0x80, v3, vm0, $0xb8;
	[tilespmem:$0x10180] =	vst v63  }
0x3b: {  	_ = 	snop  }
0x3c: {  	[tilespmem:s15], [sflag:$0x1] =	stream.indirect_vreg.gather [hbm4b:s7+s3], $0x80, v3, vm0, $0xb8;
	[tilespmem:$0x10180] =	vst v63  }
0x3d: {  	_ = 	snop  }
0x3e: {  	[tilespmem:s16], [sflag:$0x1] =	stream.indirect_vreg.gather [hbm4b:s8+s3], $0x80, v3, vm0, $0xb8;
	[tilespmem:$0x10180] =	vst v63  }
0x3f: {  	_ = 	snop  }
0x40: {  	[tilespmem:s17], [sflag:$0x1] =	stream.indirect_vreg.gather [hbm4b:s9+s3], $0x80, v3, vm0, $0xb8;
	[tilespmem:$0x10180] =	vst v63  }
0x41: {  	v3 =	vld [tilespmem:$0x90];
	_ =	sdelay $0x4  }
0x42: {  	v49 =	vshll.u32 v3, $0x3  }
0x43: {  	v3 =	vand.u32 $0x7, v3;
	v4 =	vand.u32 $0xFFFFFFC0, v49  }
0x44: {  	v3 =	vor.u32 v3, v4  }
0x45: {  	v4 =	vperm.xlane v3, v0;
	_ =	sdelay $0x1  }
0x46: {  	v4 =	vadd.s32 v1, v4;
	_ =	sdelay $0x4  }
0x47: {  	[tilespmem:s5], [sflag:$0x1] =	stream.indirect_vreg.gather [hbm4b:s1+s3], $0x80, v4, vm0, $0xb8;
	[tilespmem:$0x10180] =	vst v63  }
0x48: {  	v3 =	vperm.xlane v3, v2  }
0x49: {  	[tilespmem:s22], [sflag:$0x1] =	stream.indirect_vreg.gather [hbm4b:s7+s3], $0x80, v4, vm0, $0xb8;
	[tilespmem:$0x10180] =	vst v63  }
0x4a: {  	v3 =	vadd.s32 v1, v3  }
0x4b: {  	[tilespmem:s23], [sflag:$0x1] =	stream.indirect_vreg.gather [hbm4b:s8+s3], $0x80, v4, vm0, $0xb8;
	[tilespmem:$0x10180] =	vst v63  }
0x4c: {  	_ = 	snop  }
0x4d: {  	[tilespmem:s24], [sflag:$0x1] =	stream.indirect_vreg.gather [hbm4b:s9+s3], $0x80, v4, vm0, $0xb8;
	[tilespmem:$0x10180] =	vst v63  }
0x4e: {  	_ = 	snop  }
0x4f: {  	[tilespmem:s25], [sflag:$0x1] =	stream.indirect_vreg.gather [hbm4b:s1+s3], $0x80, v3, vm0, $0xb8;
	[tilespmem:$0x10180] =	vst v63  }
0x50: {  	_ = 	snop  }
0x51: {  	[tilespmem:s26], [sflag:$0x1] =	stream.indirect_vreg.gather [hbm4b:s7+s3], $0x80, v3, vm0, $0xb8;
	[tilespmem:$0x10180] =	vst v63  }
0x52: {  	_ = 	snop  }
0x53: {  	[tilespmem:s28], [sflag:$0x1] =	stream.indirect_vreg.gather [hbm4b:s8+s3], $0x80, v3, vm0, $0xb8;
	[tilespmem:$0x10180] =	vst v63  }
0x54: {  	_ = 	snop  }
0x55: {  	[tilespmem:s29], [sflag:$0x1] =	stream.indirect_vreg.gather [hbm4b:s9+s3], $0x80, v3, vm0, $0xb8;
	[tilespmem:$0x10180] =	vst v63  }
0x56: {  	v3 =	vld [tilespmem:$0xA0];
	_ =	sdelay $0x4  }
0x57: {  	v50 =	vshll.u32 v3, $0x3  }
0x58: {  	v3 =	vand.u32 $0x7, v3;
	v4 =	vand.u32 $0xFFFFFFC0, v50  }
0x59: {  	v3 =	vor.u32 v3, v4  }
0x5a: {  	v4 =	vperm.xlane v3, v0;
	_ =	sdelay $0x1  }
0x5b: {  	v4 =	vadd.s32 v1, v4;
	_ =	sdelay $0x4  }
0x5c: {  	[tilespmem:s12], [sflag:$0x2] =	stream.indirect_vreg.gather [hbm4b:s1+s3], $0x80, v4, vm0, $0xb8;
	[tilespmem:$0x10180] =	vst v63  }
0x5d: {  	s4 =	simm.s32 $0x8980;
	v3 =	vperm.xlane v3, v2  }
0x5e: {  	[tilespmem:s4], [sflag:$0x2] =	stream.indirect_vreg.gather [hbm4b:s7+s3], $0x80, v4, vm0, $0xb8;
	[tilespmem:$0x10180] =	vst v63  }
0x5f: {  	s30 =	simm.s32 $0x9180;
	v3 =	vadd.s32 v1, v3  }
0x60: {  	[tilespmem:s30], [sflag:$0x2] =	stream.indirect_vreg.gather [hbm4b:s8+s3], $0x80, v4, vm0, $0xb8;
	[tilespmem:$0x10180] =	vst v63  }
0x61: {  	s4 =	simm.s32 $0x9980  }
0x62: {  	[tilespmem:s4], [sflag:$0x2] =	stream.indirect_vreg.gather [hbm4b:s9+s3], $0x80, v4, vm0, $0xb8;
	[tilespmem:$0x10180] =	vst v63  }
0x63: {  	s30 =	simm.s32 $0xA180  }
0x64: {  	[tilespmem:s30], [sflag:$0x2] =	stream.indirect_vreg.gather [hbm4b:s1+s3], $0x80, v3, vm0, $0xb8;
	[tilespmem:$0x10180] =	vst v63  }
0x65: {  	s4 =	simm.s32 $0xA980  }
0x66: {  	[tilespmem:s4], [sflag:$0x2] =	stream.indirect_vreg.gather [hbm4b:s7+s3], $0x80, v3, vm0, $0xb8;
	[tilespmem:$0x10180] =	vst v63  }
0x67: {  	s30 =	simm.s32 $0xB180  }
0x68: {  	[tilespmem:s30], [sflag:$0x2] =	stream.indirect_vreg.gather [hbm4b:s8+s3], $0x80, v3, vm0, $0xb8;
	[tilespmem:$0x10180] =	vst v63  }
0x69: {  	s4 =	simm.s32 $0xB980  }
0x6a: {  	[tilespmem:s4], [sflag:$0x2] =	stream.indirect_vreg.gather [hbm4b:s9+s3], $0x80, v3, vm0, $0xb8;
	[tilespmem:$0x10180] =	vst v63  }
0x6b: {  	v3 =	vld [tilespmem:$0xB0];
	_ =	sdelay $0x4  }
0x6c: {  	v51 =	vshll.u32 v3, $0x3  }
0x6d: {  	v3 =	vand.u32 $0x7, v3;
	v4 =	vand.u32 $0xFFFFFFC0, v51  }
0x6e: {  	v3 =	vor.u32 v3, v4  }
0x6f: {  	v4 =	vperm.xlane v3, v0;
	_ =	sdelay $0x1  }
0x70: {  	v4 =	vadd.s32 v1, v4;
	_ =	sdelay $0x3  }
0x71: {  	s30 =	simm.s32 $0xC180  }
0x72: {  	[tilespmem:s30], [sflag:$0x2] =	stream.indirect_vreg.gather [hbm4b:s1+s3], $0x80, v4, vm0, $0xb8;
	[tilespmem:$0x10180] =	vst v63  }
0x73: {  	s4 =	simm.s32 $0xC980;
	v3 =	vperm.xlane v3, v2  }
0x74: {  	[tilespmem:s4], [sflag:$0x2] =	stream.indirect_vreg.gather [hbm4b:s7+s3], $0x80, v4, vm0, $0xb8;
	[tilespmem:$0x10180] =	vst v63  }
0x75: {  	v3 =	vadd.s32 v1, v3;
	s4 =	simm.s32 $0xD180  }
0x76: {  	[tilespmem:s4], [sflag:$0x2] =	stream.indirect_vreg.gather [hbm4b:s8+s3], $0x80, v4, vm0, $0xb8;
	[tilespmem:$0x10180] =	vst v63  }
0x77: {  	s4 =	simm.s32 $0xD980  }
0x78: {  	[tilespmem:s4], [sflag:$0x2] =	stream.indirect_vreg.gather [hbm4b:s9+s3], $0x80, v4, vm0, $0xb8;
	[tilespmem:$0x10180] =	vst v63  }
0x79: {  	s4 =	simm.s32 $0xE180  }
0x7a: {  	[tilespmem:s4], [sflag:$0x2] =	stream.indirect_vreg.gather [hbm4b:s1+s3], $0x80, v3, vm0, $0xb8;
	[tilespmem:$0x10180] =	vst v63  }
0x7b: {  	s4 =	simm.s32 $0xE980  }
0x7c: {  	[tilespmem:s4], [sflag:$0x2] =	stream.indirect_vreg.gather [hbm4b:s7+s3], $0x80, v3, vm0, $0xb8;
	[tilespmem:$0x10180] =	vst v63  }
0x7d: {  	s4 =	simm.s32 $0xF180  }
0x7e: {  	[tilespmem:s4], [sflag:$0x2] =	stream.indirect_vreg.gather [hbm4b:s8+s3], $0x80, v3, vm0, $0xb8;
	[tilespmem:$0x10180] =	vst v63  }
0x7f: {  	s4 =	simm.s32 $0xF980  }
0x80: {  	[tilespmem:s4], [sflag:$0x2] =	stream.indirect_vreg.gather [hbm4b:s9+s3], $0x80, v3, vm0, $0xb8;
	[tilespmem:$0x10180] =	vst v63  }
0x81: {  	_ =	swait.ge [sflag:s31], $0x8000  }
0x82: {  	[sflag:s31] =	ssyncset.done $0x0  }
0x83: {  	s4 =	rddreg [dreg:$0x7];
	[sflag:s31] =	ssyncadd.s32 $0xFFFF8000  }
0x84: {  	[hbm4b:s4+s3] =	stream.linear.scatter [tilespmem:s21], [sflag:$0x3], $0x8000, $0x38;
	[tilespmem:$0x10180] =	vst v63  }
0x85: {  	_ =	swait.ge [sflag:s0], $0x8000  }
0x86: {  	[sflag:s0] =	ssyncset.done $0x0  }
0x87: {  	[sflag:s0] =	ssyncadd.s32 $0xFFFF8000  }
0x88: {  	v3 =	vld [tilespmem:$0xC0];
	_ =	sdelay $0x4  }
0x89: {  	v52 =	vshll.u32 v3, $0x3  }
0x8a: {  	v3 =	vand.u32 $0x7, v3;
	v4 =	vand.u32 $0xFFFFFFC0, v52  }
0x8b: {  	v3 =	vor.u32 v3, v4  }
0x8c: {  	v4 =	vperm.xlane v3, v0;
	_ =	sdelay $0x1  }
0x8d: {  	v4 =	vadd.s32 v1, v4;
	_ =	sdelay $0x4  }
0x8e: {  	[tilespmem:s21], [sflag:$0x1] =	stream.indirect_vreg.gather [hbm4b:s1+s3], $0x80, v4, vm0, $0xb8;
	[tilespmem:$0x10180] =	vst v63  }
0x8f: {  	v3 =	vperm.xlane v3, v2  }
0x90: {  	[tilespmem:s10], [sflag:$0x1] =	stream.indirect_vreg.gather [hbm4b:s7+s3], $0x80, v4, vm0, $0xb8;
	[tilespmem:$0x10180] =	vst v63  }
0x91: {  	v3 =	vadd.s32 v1, v3  }
0x92: {  	[tilespmem:s11], [sflag:$0x1] =	stream.indirect_vreg.gather [hbm4b:s8+s3], $0x80, v4, vm0, $0xb8;
	[tilespmem:$0x10180] =	vst v63  }
0x93: {  	_ = 	snop  }
0x94: {  	[tilespmem:s13], [sflag:$0x1] =	stream.indirect_vreg.gather [hbm4b:s9+s3], $0x80, v4, vm0, $0xb8;
	[tilespmem:$0x10180] =	vst v63  }
0x95: {  	_ = 	snop  }
0x96: {  	[tilespmem:s14], [sflag:$0x1] =	stream.indirect_vreg.gather [hbm4b:s1+s3], $0x80, v3, vm0, $0xb8;
	[tilespmem:$0x10180] =	vst v63  }
0x97: {  	_ = 	snop  }
0x98: {  	[tilespmem:s15], [sflag:$0x1] =	stream.indirect_vreg.gather [hbm4b:s7+s3], $0x80, v3, vm0, $0xb8;
	[tilespmem:$0x10180] =	vst v63  }
0x99: {  	_ = 	snop  }
0x9a: {  	[tilespmem:s16], [sflag:$0x1] =	stream.indirect_vreg.gather [hbm4b:s8+s3], $0x80, v3, vm0, $0xb8;
	[tilespmem:$0x10180] =	vst v63  }
0x9b: {  	_ = 	snop  }
0x9c: {  	[tilespmem:s17], [sflag:$0x1] =	stream.indirect_vreg.gather [hbm4b:s9+s3], $0x80, v3, vm0, $0xb8;
	[tilespmem:$0x10180] =	vst v63  }
0x9d: {  	v3 =	vld [tilespmem:$0xD0];
	_ =	sdelay $0x4  }
0x9e: {  	v53 =	vshll.u32 v3, $0x3  }
0x9f: {  	v3 =	vand.u32 $0x7, v3;
	v4 =	vand.u32 $0xFFFFFFC0, v53  }
0xa0: {  	v3 =	vor.u32 v3, v4  }
0xa1: {  	v4 =	vperm.xlane v3, v0;
	_ =	sdelay $0x1  }
0xa2: {  	v4 =	vadd.s32 v1, v4;
	_ =	sdelay $0x4  }
0xa3: {  	[tilespmem:s5], [sflag:$0x1] =	stream.indirect_vreg.gather [hbm4b:s1+s3], $0x80, v4, vm0, $0xb8;
	[tilespmem:$0x10180] =	vst v63  }
0xa4: {  	v3 =	vperm.xlane v3, v2  }
0xa5: {  	[tilespmem:s22], [sflag:$0x1] =	stream.indirect_vreg.gather [hbm4b:s7+s3], $0x80, v4, vm0, $0xb8;
	[tilespmem:$0x10180] =	vst v63  }
0xa6: {  	v3 =	vadd.s32 v1, v3  }
0xa7: {  	[tilespmem:s23], [sflag:$0x1] =	stream.indirect_vreg.gather [hbm4b:s8+s3], $0x80, v4, vm0, $0xb8;
	[tilespmem:$0x10180] =	vst v63  }
0xa8: {  	_ = 	snop  }
0xa9: {  	[tilespmem:s24], [sflag:$0x1] =	stream.indirect_vreg.gather [hbm4b:s9+s3], $0x80, v4, vm0, $0xb8;
	[tilespmem:$0x10180] =	vst v63  }
0xaa: {  	_ = 	snop  }
0xab: {  	[tilespmem:s25], [sflag:$0x1] =	stream.indirect_vreg.gather [hbm4b:s1+s3], $0x80, v3, vm0, $0xb8;
	[tilespmem:$0x10180] =	vst v63  }
0xac: {  	_ = 	snop  }
0xad: {  	[tilespmem:s26], [sflag:$0x1] =	stream.indirect_vreg.gather [hbm4b:s7+s3], $0x80, v3, vm0, $0xb8;
	[tilespmem:$0x10180] =	vst v63  }
0xae: {  	_ = 	snop  }
0xaf: {  	[tilespmem:s28], [sflag:$0x1] =	stream.indirect_vreg.gather [hbm4b:s8+s3], $0x80, v3, vm0, $0xb8;
	[tilespmem:$0x10180] =	vst v63  }
0xb0: {  	_ = 	snop  }
0xb1: {  	[tilespmem:s29], [sflag:$0x1] =	stream.indirect_vreg.gather [hbm4b:s9+s3], $0x80, v3, vm0, $0xb8;
	[tilespmem:$0x10180] =	vst v63  }
0xb2: {  	_ =	swait.ge [sflag:s2], $0x8000  }
0xb3: {  	[sflag:s2] =	ssyncset.done $0x0  }
0xb4: {  	s4 =	rddreg [dreg:$0x8];
	[sflag:s2] =	ssyncadd.s32 $0xFFFF8000  }
0xb5: {  	[hbm4b:s4+s3] =	stream.linear.scatter [tilespmem:s12], [sflag:$0x4], $0x8000, $0x38;
	[tilespmem:$0x10180] =	vst v63  }
0xb6: {  	_ =	swait.ge [sflag:s20], $0x8000  }
0xb7: {  	[sflag:s20] =	ssyncset.done $0x0  }
0xb8: {  	[sflag:s20] =	ssyncadd.s32 $0xFFFF8000  }
0xb9: {  	v3 =	vld [tilespmem:$0xE0];
	_ =	sdelay $0x4  }
0xba: {  	v54 =	vshll.u32 v3, $0x3  }
0xbb: {  	v3 =	vand.u32 $0x7, v3;
	v4 =	vand.u32 $0xFFFFFFC0, v54  }
0xbc: {  	v3 =	vor.u32 v3, v4  }
0xbd: {  	v4 =	vperm.xlane v3, v0;
	_ =	sdelay $0x1  }
0xbe: {  	v4 =	vadd.s32 v1, v4;
	_ =	sdelay $0x4  }
0xbf: {  	[tilespmem:s12], [sflag:$0x2] =	stream.indirect_vreg.gather [hbm4b:s1+s3], $0x80, v4, vm0, $0xb8;
	[tilespmem:$0x10180] =	vst v63  }
0xc0: {  	s4 =	simm.s32 $0x8980;
	v3 =	vperm.xlane v3, v2  }
0xc1: {  	[tilespmem:s4], [sflag:$0x2] =	stream.indirect_vreg.gather [hbm4b:s7+s3], $0x80, v4, vm0, $0xb8;
	[tilespmem:$0x10180] =	vst v63  }
0xc2: {  	s6 =	simm.s32 $0x9180;
	v3 =	vadd.s32 v1, v3  }
0xc3: {  	[tilespmem:s6], [sflag:$0x2] =	stream.indirect_vreg.gather [hbm4b:s8+s3], $0x80, v4, vm0, $0xb8;
	[tilespmem:$0x10180] =	vst v63  }
0xc4: {  	s6 =	simm.s32 $0x9980  }
0xc5: {  	[tilespmem:s6], [sflag:$0x2] =	stream.indirect_vreg.gather [hbm4b:s9+s3], $0x80, v4, vm0, $0xb8;
	[tilespmem:$0x10180] =	vst v63  }
0xc6: {  	s6 =	simm.s32 $0xA180  }
0xc7: {  	[tilespmem:s6], [sflag:$0x2] =	stream.indirect_vreg.gather [hbm4b:s1+s3], $0x80, v3, vm0, $0xb8;
	[tilespmem:$0x10180] =	vst v63  }
0xc8: {  	s6 =	simm.s32 $0xA980  }
0xc9: {  	[tilespmem:s6], [sflag:$0x2] =	stream.indirect_vreg.gather [hbm4b:s7+s3], $0x80, v3, vm0, $0xb8;
	[tilespmem:$0x10180] =	vst v63  }
0xca: {  	s6 =	simm.s32 $0xB180  }
0xcb: {  	[tilespmem:s6], [sflag:$0x2] =	stream.indirect_vreg.gather [hbm4b:s8+s3], $0x80, v3, vm0, $0xb8;
	[tilespmem:$0x10180] =	vst v63  }
0xcc: {  	s6 =	simm.s32 $0xB980  }
0xcd: {  	[tilespmem:s6], [sflag:$0x2] =	stream.indirect_vreg.gather [hbm4b:s9+s3], $0x80, v3, vm0, $0xb8;
	[tilespmem:$0x10180] =	vst v63  }
0xce: {  	v3 =	vld [tilespmem:$0xF0];
	_ =	sdelay $0x4  }
0xcf: {  	v55 =	vshll.u32 v3, $0x3  }
0xd0: {  	v3 =	vand.u32 $0x7, v3;
	v4 =	vand.u32 $0xFFFFFFC0, v55  }
0xd1: {  	v3 =	vor.u32 v3, v4  }
0xd2: {  	v4 =	vperm.xlane v3, v0;
	_ =	sdelay $0x1  }
0xd3: {  	v4 =	vadd.s32 v1, v4;
	_ =	sdelay $0x3  }
0xd4: {  	s30 =	simm.s32 $0xC180  }
0xd5: {  	[tilespmem:s30], [sflag:$0x2] =	stream.indirect_vreg.gather [hbm4b:s1+s3], $0x80, v4, vm0, $0xb8;
	[tilespmem:$0x10180] =	vst v63  }
0xd6: {  	v3 =	vperm.xlane v3, v2;
	s30 =	simm.s32 $0xC980  }
0xd7: {  	[tilespmem:s30], [sflag:$0x2] =	stream.indirect_vreg.gather [hbm4b:s7+s3], $0x80, v4, vm0, $0xb8;
	[tilespmem:$0x10180] =	vst v63  }
0xd8: {  	v3 =	vadd.s32 v1, v3;
	s30 =	simm.s32 $0xD180  }
0xd9: {  	[tilespmem:s30], [sflag:$0x2] =	stream.indirect_vreg.gather [hbm4b:s8+s3], $0x80, v4, vm0, $0xb8;
	[tilespmem:$0x10180] =	vst v63  }
0xda: {  	s30 =	simm.s32 $0xD980  }
0xdb: {  	[tilespmem:s30], [sflag:$0x2] =	stream.indirect_vreg.gather [hbm4b:s9+s3], $0x80, v4, vm0, $0xb8;
	[tilespmem:$0x10180] =	vst v63  }
0xdc: {  	s30 =	simm.s32 $0xE180  }
0xdd: {  	[tilespmem:s30], [sflag:$0x2] =	stream.indirect_vreg.gather [hbm4b:s1+s3], $0x80, v3, vm0, $0xb8;
	[tilespmem:$0x10180] =	vst v63  }
0xde: {  	s30 =	simm.s32 $0xE980  }
0xdf: {  	[tilespmem:s30], [sflag:$0x2] =	stream.indirect_vreg.gather [hbm4b:s7+s3], $0x80, v3, vm0, $0xb8;
	[tilespmem:$0x10180] =	vst v63  }
0xe0: {  	s30 =	simm.s32 $0xF180  }
0xe1: {  	[tilespmem:s30], [sflag:$0x2] =	stream.indirect_vreg.gather [hbm4b:s8+s3], $0x80, v3, vm0, $0xb8;
	[tilespmem:$0x10180] =	vst v63  }
0xe2: {  	s30 =	simm.s32 $0xF980  }
0xe3: {  	[tilespmem:s30], [sflag:$0x2] =	stream.indirect_vreg.gather [hbm4b:s9+s3], $0x80, v3, vm0, $0xb8;
	[tilespmem:$0x10180] =	vst v63  }
0xe4: {  	_ =	swait.ge [sflag:s31], $0x8000  }
0xe5: {  	[sflag:s31] =	ssyncset.done $0x0  }
0xe6: {  	s30 =	rddreg [dreg:$0x9];
	[sflag:s31] =	ssyncadd.s32 $0xFFFF8000  }
0xe7: {  	[hbm4b:s30+s3] =	stream.linear.scatter [tilespmem:s21], [sflag:$0x3], $0x8000, $0x38;
	[tilespmem:$0x10180] =	vst v63  }
0xe8: {  	_ =	swait.ge [sflag:s0], $0x8000  }
0xe9: {  	[sflag:s0] =	ssyncset.done $0x0  }
0xea: {  	[sflag:s0] =	ssyncadd.s32 $0xFFFF8000  }
0xeb: {  	v3 =	vld [tilespmem:$0x100];
	_ =	sdelay $0x4  }
0xec: {  	v56 =	vshll.u32 v3, $0x3  }
0xed: {  	v3 =	vand.u32 $0x7, v3;
	v4 =	vand.u32 $0xFFFFFFC0, v56  }
0xee: {  	v3 =	vor.u32 v3, v4  }
0xef: {  	v4 =	vperm.xlane v3, v0;
	_ =	sdelay $0x1  }
0xf0: {  	v4 =	vadd.s32 v1, v4;
	_ =	sdelay $0x4  }
0xf1: {  	[tilespmem:s21], [sflag:$0x1] =	stream.indirect_vreg.gather [hbm4b:s1+s3], $0x80, v4, vm0, $0xb8;
	[tilespmem:$0x10180] =	vst v63  }
0xf2: {  	v3 =	vperm.xlane v3, v2  }
0xf3: {  	[tilespmem:s10], [sflag:$0x1] =	stream.indirect_vreg.gather [hbm4b:s7+s3], $0x80, v4, vm0, $0xb8;
	[tilespmem:$0x10180] =	vst v63  }
0xf4: {  	v3 =	vadd.s32 v1, v3  }
0xf5: {  	[tilespmem:s11], [sflag:$0x1] =	stream.indirect_vreg.gather [hbm4b:s8+s3], $0x80, v4, vm0, $0xb8;
	[tilespmem:$0x10180] =	vst v63  }
0xf6: {  	_ = 	snop  }
0xf7: {  	[tilespmem:s13], [sflag:$0x1] =	stream.indirect_vreg.gather [hbm4b:s9+s3], $0x80, v4, vm0, $0xb8;
	[tilespmem:$0x10180] =	vst v63  }
0xf8: {  	_ = 	snop  }
0xf9: {  	[tilespmem:s14], [sflag:$0x1] =	stream.indirect_vreg.gather [hbm4b:s1+s3], $0x80, v3, vm0, $0xb8;
	[tilespmem:$0x10180] =	vst v63  }
0xfa: {  	_ = 	snop  }
0xfb: {  	[tilespmem:s15], [sflag:$0x1] =	stream.indirect_vreg.gather [hbm4b:s7+s3], $0x80, v3, vm0, $0xb8;
	[tilespmem:$0x10180] =	vst v63  }
0xfc: {  	_ = 	snop  }
0xfd: {  	[tilespmem:s16], [sflag:$0x1] =	stream.indirect_vreg.gather [hbm4b:s8+s3], $0x80, v3, vm0, $0xb8;
	[tilespmem:$0x10180] =	vst v63  }
0xfe: {  	_ = 	snop  }
0xff: {  	[tilespmem:s17], [sflag:$0x1] =	stream.indirect_vreg.gather [hbm4b:s9+s3], $0x80, v3, vm0, $0xb8;
	[tilespmem:$0x10180] =	vst v63  }
0x100: {  	v3 =	vld [tilespmem:$0x110];
	_ =	sdelay $0x4  }
0x101: {  	v57 =	vshll.u32 v3, $0x3  }
0x102: {  	v3 =	vand.u32 $0x7, v3;
	v4 =	vand.u32 $0xFFFFFFC0, v57  }
0x103: {  	v3 =	vor.u32 v3, v4  }
0x104: {  	v4 =	vperm.xlane v3, v0;
	_ =	sdelay $0x1  }
0x105: {  	v4 =	vadd.s32 v1, v4;
	_ =	sdelay $0x4  }
0x106: {  	[tilespmem:s5], [sflag:$0x1] =	stream.indirect_vreg.gather [hbm4b:s1+s3], $0x80, v4, vm0, $0xb8;
	[tilespmem:$0x10180] =	vst v63  }
0x107: {  	v3 =	vperm.xlane v3, v2  }
0x108: {  	[tilespmem:s22], [sflag:$0x1] =	stream.indirect_vreg.gather [hbm4b:s7+s3], $0x80, v4, vm0, $0xb8;
	[tilespmem:$0x10180] =	vst v63  }
0x109: {  	v3 =	vadd.s32 v1, v3  }
0x10a: {  	[tilespmem:s23], [sflag:$0x1] =	stream.indirect_vreg.gather [hbm4b:s8+s3], $0x80, v4, vm0, $0xb8;
	[tilespmem:$0x10180] =	vst v63  }
0x10b: {  	_ = 	snop  }
0x10c: {  	[tilespmem:s24], [sflag:$0x1] =	stream.indirect_vreg.gather [hbm4b:s9+s3], $0x80, v4, vm0, $0xb8;
	[tilespmem:$0x10180] =	vst v63  }
0x10d: {  	_ = 	snop  }
0x10e: {  	[tilespmem:s25], [sflag:$0x1] =	stream.indirect_vreg.gather [hbm4b:s1+s3], $0x80, v3, vm0, $0xb8;
	[tilespmem:$0x10180] =	vst v63  }
0x10f: {  	_ = 	snop  }
0x110: {  	[tilespmem:s26], [sflag:$0x1] =	stream.indirect_vreg.gather [hbm4b:s7+s3], $0x80, v3, vm0, $0xb8;
	[tilespmem:$0x10180] =	vst v63  }
0x111: {  	_ = 	snop  }
0x112: {  	[tilespmem:s28], [sflag:$0x1] =	stream.indirect_vreg.gather [hbm4b:s8+s3], $0x80, v3, vm0, $0xb8;
	[tilespmem:$0x10180] =	vst v63  }
0x113: {  	_ = 	snop  }
0x114: {  	[tilespmem:s29], [sflag:$0x1] =	stream.indirect_vreg.gather [hbm4b:s9+s3], $0x80, v3, vm0, $0xb8;
	[tilespmem:$0x10180] =	vst v63  }
0x115: {  	_ =	swait.ge [sflag:s2], $0x8000  }
0x116: {  	[sflag:s2] =	ssyncset.done $0x0  }
0x117: {  	s30 =	rddreg [dreg:$0xa];
	[sflag:s2] =	ssyncadd.s32 $0xFFFF8000  }
0x118: {  	[hbm4b:s30+s3] =	stream.linear.scatter [tilespmem:s12], [sflag:$0x4], $0x8000, $0x38;
	[tilespmem:$0x10180] =	vst v63  }
0x119: {  	_ =	swait.ge [sflag:s20], $0x8000  }
0x11a: {  	[sflag:s20] =	ssyncset.done $0x0  }
0x11b: {  	[sflag:s20] =	ssyncadd.s32 $0xFFFF8000  }
0x11c: {  	v3 =	vld [tilespmem:$0x120];
	_ =	sdelay $0x4  }
0x11d: {  	v58 =	vshll.u32 v3, $0x3  }
0x11e: {  	v3 =	vand.u32 $0x7, v3;
	v4 =	vand.u32 $0xFFFFFFC0, v58  }
0x11f: {  	v3 =	vor.u32 v3, v4  }
0x120: {  	v4 =	vperm.xlane v3, v0;
	_ =	sdelay $0x1  }
0x121: {  	v4 =	vadd.s32 v1, v4;
	_ =	sdelay $0x4  }
0x122: {  	[tilespmem:s12], [sflag:$0x2] =	stream.indirect_vreg.gather [hbm4b:s1+s3], $0x80, v4, vm0, $0xb8;
	[tilespmem:$0x10180] =	vst v63  }
0x123: {  	v3 =	vperm.xlane v3, v2  }
0x124: {  	[tilespmem:s4], [sflag:$0x2] =	stream.indirect_vreg.gather [hbm4b:s7+s3], $0x80, v4, vm0, $0xb8;
	[tilespmem:$0x10180] =	vst v63  }
0x125: {  	s30 =	simm.s32 $0x9180;
	v3 =	vadd.s32 v1, v3  }
0x126: {  	[tilespmem:s30], [sflag:$0x2] =	stream.indirect_vreg.gather [hbm4b:s8+s3], $0x80, v4, vm0, $0xb8;
	[tilespmem:$0x10180] =	vst v63  }
0x127: {  	s30 =	simm.s32 $0x9980  }
0x128: {  	[tilespmem:s30], [sflag:$0x2] =	stream.indirect_vreg.gather [hbm4b:s9+s3], $0x80, v4, vm0, $0xb8;
	[tilespmem:$0x10180] =	vst v63  }
0x129: {  	s6 =	simm.s32 $0xA180  }
0x12a: {  	[tilespmem:s6], [sflag:$0x2] =	stream.indirect_vreg.gather [hbm4b:s1+s3], $0x80, v3, vm0, $0xb8;
	[tilespmem:$0x10180] =	vst v63  }
0x12b: {  	s6 =	simm.s32 $0xA980  }
0x12c: {  	[tilespmem:s6], [sflag:$0x2] =	stream.indirect_vreg.gather [hbm4b:s7+s3], $0x80, v3, vm0, $0xb8;
	[tilespmem:$0x10180] =	vst v63  }
0x12d: {  	s6 =	simm.s32 $0xB180  }
0x12e: {  	[tilespmem:s6], [sflag:$0x2] =	stream.indirect_vreg.gather [hbm4b:s8+s3], $0x80, v3, vm0, $0xb8;
	[tilespmem:$0x10180] =	vst v63  }
0x12f: {  	s6 =	simm.s32 $0xB980  }
0x130: {  	[tilespmem:s6], [sflag:$0x2] =	stream.indirect_vreg.gather [hbm4b:s9+s3], $0x80, v3, vm0, $0xb8;
	[tilespmem:$0x10180] =	vst v63  }
0x131: {  	v3 =	vld [tilespmem:$0x130];
	_ =	sdelay $0x4  }
0x132: {  	v59 =	vshll.u32 v3, $0x3  }
0x133: {  	v3 =	vand.u32 $0x7, v3;
	v4 =	vand.u32 $0xFFFFFFC0, v59  }
0x134: {  	v3 =	vor.u32 v3, v4  }
0x135: {  	v4 =	vperm.xlane v3, v0;
	_ =	sdelay $0x1  }
0x136: {  	v4 =	vadd.s32 v1, v4;
	_ =	sdelay $0x3  }
0x137: {  	s6 =	simm.s32 $0xC180  }
0x138: {  	[tilespmem:s6], [sflag:$0x2] =	stream.indirect_vreg.gather [hbm4b:s1+s3], $0x80, v4, vm0, $0xb8;
	[tilespmem:$0x10180] =	vst v63  }
0x139: {  	v3 =	vperm.xlane v3, v2;
	s6 =	simm.s32 $0xC980  }
0x13a: {  	[tilespmem:s6], [sflag:$0x2] =	stream.indirect_vreg.gather [hbm4b:s7+s3], $0x80, v4, vm0, $0xb8;
	[tilespmem:$0x10180] =	vst v63  }
0x13b: {  	v3 =	vadd.s32 v1, v3;
	s6 =	simm.s32 $0xD180  }
0x13c: {  	[tilespmem:s6], [sflag:$0x2] =	stream.indirect_vreg.gather [hbm4b:s8+s3], $0x80, v4, vm0, $0xb8;
	[tilespmem:$0x10180] =	vst v63  }
0x13d: {  	s6 =	simm.s32 $0xD980  }
0x13e: {  	[tilespmem:s6], [sflag:$0x2] =	stream.indirect_vreg.gather [hbm4b:s9+s3], $0x80, v4, vm0, $0xb8;
	[tilespmem:$0x10180] =	vst v63  }
0x13f: {  	s6 =	simm.s32 $0xE180  }
0x140: {  	[tilespmem:s6], [sflag:$0x2] =	stream.indirect_vreg.gather [hbm4b:s1+s3], $0x80, v3, vm0, $0xb8;
	[tilespmem:$0x10180] =	vst v63  }
0x141: {  	s6 =	simm.s32 $0xE980  }
0x142: {  	[tilespmem:s6], [sflag:$0x2] =	stream.indirect_vreg.gather [hbm4b:s7+s3], $0x80, v3, vm0, $0xb8;
	[tilespmem:$0x10180] =	vst v63  }
0x143: {  	s6 =	simm.s32 $0xF180  }
0x144: {  	[tilespmem:s6], [sflag:$0x2] =	stream.indirect_vreg.gather [hbm4b:s8+s3], $0x80, v3, vm0, $0xb8;
	[tilespmem:$0x10180] =	vst v63  }
0x145: {  	s6 =	simm.s32 $0xF980  }
0x146: {  	[tilespmem:s6], [sflag:$0x2] =	stream.indirect_vreg.gather [hbm4b:s9+s3], $0x80, v3, vm0, $0xb8;
	[tilespmem:$0x10180] =	vst v63  }
0x147: {  	_ =	swait.ge [sflag:s31], $0x8000  }
0x148: {  	[sflag:s31] =	ssyncset.done $0x0  }
0x149: {  	s6 =	rddreg [dreg:$0xb];
	[sflag:s31] =	ssyncadd.s32 $0xFFFF8000  }
0x14a: {  	[hbm4b:s6+s3] =	stream.linear.scatter [tilespmem:s21], [sflag:$0x3], $0x8000, $0x38;
	[tilespmem:$0x10180] =	vst v63  }
0x14b: {  	_ =	swait.ge [sflag:s0], $0x8000  }
0x14c: {  	[sflag:s0] =	ssyncset.done $0x0  }
0x14d: {  	[sflag:s0] =	ssyncadd.s32 $0xFFFF8000  }
0x14e: {  	v3 =	vld [tilespmem:$0x140];
	_ =	sdelay $0x4  }
0x14f: {  	v60 =	vshll.u32 v3, $0x3  }
0x150: {  	v3 =	vand.u32 $0x7, v3;
	v4 =	vand.u32 $0xFFFFFFC0, v60  }
0x151: {  	v3 =	vor.u32 v3, v4  }
0x152: {  	v4 =	vperm.xlane v3, v0;
	_ =	sdelay $0x1  }
0x153: {  	v4 =	vadd.s32 v1, v4;
	_ =	sdelay $0x4  }
0x154: {  	[tilespmem:s21], [sflag:$0x1] =	stream.indirect_vreg.gather [hbm4b:s1+s3], $0x80, v4, vm0, $0xb8;
	[tilespmem:$0x10180] =	vst v63  }
0x155: {  	v3 =	vperm.xlane v3, v2  }
0x156: {  	[tilespmem:s10], [sflag:$0x1] =	stream.indirect_vreg.gather [hbm4b:s7+s3], $0x80, v4, vm0, $0xb8;
	[tilespmem:$0x10180] =	vst v63  }
0x157: {  	v3 =	vadd.s32 v1, v3  }
0x158: {  	[tilespmem:s11], [sflag:$0x1] =	stream.indirect_vreg.gather [hbm4b:s8+s3], $0x80, v4, vm0, $0xb8;
	[tilespmem:$0x10180] =	vst v63  }
0x159: {  	_ = 	snop  }
0x15a: {  	[tilespmem:s13], [sflag:$0x1] =	stream.indirect_vreg.gather [hbm4b:s9+s3], $0x80, v4, vm0, $0xb8;
	[tilespmem:$0x10180] =	vst v63  }
0x15b: {  	_ = 	snop  }
0x15c: {  	[tilespmem:s14], [sflag:$0x1] =	stream.indirect_vreg.gather [hbm4b:s1+s3], $0x80, v3, vm0, $0xb8;
	[tilespmem:$0x10180] =	vst v63  }
0x15d: {  	_ = 	snop  }
0x15e: {  	[tilespmem:s15], [sflag:$0x1] =	stream.indirect_vreg.gather [hbm4b:s7+s3], $0x80, v3, vm0, $0xb8;
	[tilespmem:$0x10180] =	vst v63  }
0x15f: {  	_ = 	snop  }
0x160: {  	[tilespmem:s16], [sflag:$0x1] =	stream.indirect_vreg.gather [hbm4b:s8+s3], $0x80, v3, vm0, $0xb8;
	[tilespmem:$0x10180] =	vst v63  }
0x161: {  	_ = 	snop  }
0x162: {  	[tilespmem:s17], [sflag:$0x1] =	stream.indirect_vreg.gather [hbm4b:s9+s3], $0x80, v3, vm0, $0xb8;
	[tilespmem:$0x10180] =	vst v63  }
0x163: {  	v3 =	vld [tilespmem:$0x150];
	_ =	sdelay $0x4  }
0x164: {  	v61 =	vshll.u32 v3, $0x3  }
0x165: {  	v3 =	vand.u32 $0x7, v3;
	v4 =	vand.u32 $0xFFFFFFC0, v61  }
0x166: {  	v3 =	vor.u32 v3, v4  }
0x167: {  	v4 =	vperm.xlane v3, v0;
	_ =	sdelay $0x1  }
0x168: {  	v4 =	vadd.s32 v1, v4;
	_ =	sdelay $0x4  }
0x169: {  	[tilespmem:s5], [sflag:$0x1] =	stream.indirect_vreg.gather [hbm4b:s1+s3], $0x80, v4, vm0, $0xb8;
	[tilespmem:$0x10180] =	vst v63  }
0x16a: {  	v3 =	vperm.xlane v3, v2  }
0x16b: {  	[tilespmem:s22], [sflag:$0x1] =	stream.indirect_vreg.gather [hbm4b:s7+s3], $0x80, v4, vm0, $0xb8;
	[tilespmem:$0x10180] =	vst v63  }
0x16c: {  	v3 =	vadd.s32 v1, v3  }
0x16d: {  	[tilespmem:s23], [sflag:$0x1] =	stream.indirect_vreg.gather [hbm4b:s8+s3], $0x80, v4, vm0, $0xb8;
	[tilespmem:$0x10180] =	vst v63  }
0x16e: {  	_ = 	snop  }
0x16f: {  	[tilespmem:s24], [sflag:$0x1] =	stream.indirect_vreg.gather [hbm4b:s9+s3], $0x80, v4, vm0, $0xb8;
	[tilespmem:$0x10180] =	vst v63  }
0x170: {  	_ = 	snop  }
0x171: {  	[tilespmem:s25], [sflag:$0x1] =	stream.indirect_vreg.gather [hbm4b:s1+s3], $0x80, v3, vm0, $0xb8;
	[tilespmem:$0x10180] =	vst v63  }
0x172: {  	_ = 	snop  }
0x173: {  	[tilespmem:s26], [sflag:$0x1] =	stream.indirect_vreg.gather [hbm4b:s7+s3], $0x80, v3, vm0, $0xb8;
	[tilespmem:$0x10180] =	vst v63  }
0x174: {  	_ = 	snop  }
0x175: {  	[tilespmem:s28], [sflag:$0x1] =	stream.indirect_vreg.gather [hbm4b:s8+s3], $0x80, v3, vm0, $0xb8;
	[tilespmem:$0x10180] =	vst v63  }
0x176: {  	_ = 	snop  }
0x177: {  	[tilespmem:s29], [sflag:$0x1] =	stream.indirect_vreg.gather [hbm4b:s9+s3], $0x80, v3, vm0, $0xb8;
	[tilespmem:$0x10180] =	vst v63  }
0x178: {  	_ =	swait.ge [sflag:s2], $0x8000  }
0x179: {  	[sflag:s2] =	ssyncset.done $0x0  }
0x17a: {  	s10 =	rddreg [dreg:$0xc];
	[sflag:s2] =	ssyncadd.s32 $0xFFFF8000  }
0x17b: {  	[hbm4b:s10+s3] =	stream.linear.scatter [tilespmem:s12], [sflag:$0x4], $0x8000, $0x38;
	[tilespmem:$0x10180] =	vst v63  }
0x17c: {  	_ =	swait.ge [sflag:s20], $0x8000  }
0x17d: {  	[sflag:s20] =	ssyncset.done $0x0  }
0x17e: {  	[sflag:s20] =	ssyncadd.s32 $0xFFFF8000  }
0x17f: {  	v3 =	vld [tilespmem:$0x160];
	_ =	sdelay $0x4  }
0x180: {  	v62 =	vshll.u32 v3, $0x3  }
0x181: {  	v3 =	vand.u32 $0x7, v3;
	v4 =	vand.u32 $0xFFFFFFC0, v62  }
0x182: {  	v3 =	vor.u32 v3, v4  }
0x183: {  	v4 =	vperm.xlane v3, v0;
	_ =	sdelay $0x1  }
0x184: {  	v4 =	vadd.s32 v1, v4;
	_ =	sdelay $0x4  }
0x185: {  	[tilespmem:s12], [sflag:$0x2] =	stream.indirect_vreg.gather [hbm4b:s1+s3], $0x80, v4, vm0, $0xb8;
	[tilespmem:$0x10180] =	vst v63  }
0x186: {  	s4 =	simm.s32 $0x8980;
	v3 =	vperm.xlane v3, v2  }
0x187: {  	[tilespmem:s4], [sflag:$0x2] =	stream.indirect_vreg.gather [hbm4b:s7+s3], $0x80, v4, vm0, $0xb8;
	[tilespmem:$0x10180] =	vst v63  }
0x188: {  	s6 =	simm.s32 $0x9180;
	v3 =	vadd.s32 v1, v3  }
0x189: {  	[tilespmem:s6], [sflag:$0x2] =	stream.indirect_vreg.gather [hbm4b:s8+s3], $0x80, v4, vm0, $0xb8;
	[tilespmem:$0x10180] =	vst v63  }
0x18a: {  	s30 =	simm.s32 $0x9980  }
0x18b: {  	[tilespmem:s30], [sflag:$0x2] =	stream.indirect_vreg.gather [hbm4b:s9+s3], $0x80, v4, vm0, $0xb8;
	[tilespmem:$0x10180] =	vst v63  }
0x18c: {  	s10 =	simm.s32 $0xA180  }
0x18d: {  	[tilespmem:s10], [sflag:$0x2] =	stream.indirect_vreg.gather [hbm4b:s1+s3], $0x80, v3, vm0, $0xb8;
	[tilespmem:$0x10180] =	vst v63  }
0x18e: {  	s30 =	simm.s32 $0xA980  }
0x18f: {  	[tilespmem:s30], [sflag:$0x2] =	stream.indirect_vreg.gather [hbm4b:s7+s3], $0x80, v3, vm0, $0xb8;
	[tilespmem:$0x10180] =	vst v63  }
0x190: {  	s6 =	simm.s32 $0xB180  }
0x191: {  	[tilespmem:s6], [sflag:$0x2] =	stream.indirect_vreg.gather [hbm4b:s8+s3], $0x80, v3, vm0, $0xb8;
	[tilespmem:$0x10180] =	vst v63  }
0x192: {  	s10 =	simm.s32 $0xB980  }
0x193: {  	[tilespmem:s10], [sflag:$0x2] =	stream.indirect_vreg.gather [hbm4b:s9+s3], $0x80, v3, vm0, $0xb8;
	[tilespmem:$0x10180] =	vst v63  }
0x194: {  	v3 =	vld [tilespmem:$0x170];
	_ =	sdelay $0x4  }
0x195: {  	v63 =	vshll.u32 v3, $0x3  }
0x196: {  	v3 =	vand.u32 $0x7, v3;
	v4 =	vand.u32 $0xFFFFFFC0, v63  }
0x197: {  	v3 =	vor.u32 v3, v4  }
0x198: {  	v4 =	vperm.xlane v3, v0;
	_ =	sdelay $0x1  }
0x199: {  	v4 =	vadd.s32 v1, v4;
	_ =	sdelay $0x3  }
0x19a: {  	s30 =	simm.s32 $0xC180  }
0x19b: {  	[tilespmem:s30], [sflag:$0x2] =	stream.indirect_vreg.gather [hbm4b:s1+s3], $0x80, v4, vm0, $0xb8;
	[tilespmem:$0x10180] =	vst v63  }
0x19c: {  	s6 =	simm.s32 $0xC980;
	v3 =	vperm.xlane v3, v2  }
0x19d: {  	[tilespmem:s6], [sflag:$0x2] =	stream.indirect_vreg.gather [hbm4b:s7+s3], $0x80, v4, vm0, $0xb8;
	[tilespmem:$0x10180] =	vst v63  }
0x19e: {  	s10 =	simm.s32 $0xD180;
	v3 =	vadd.s32 v1, v3  }
0x19f: {  	[tilespmem:s10], [sflag:$0x2] =	stream.indirect_vreg.gather [hbm4b:s8+s3], $0x80, v4, vm0, $0xb8;
	[tilespmem:$0x10180] =	vst v63  }
0x1a0: {  	s30 =	simm.s32 $0xD980  }
0x1a1: {  	[tilespmem:s30], [sflag:$0x2] =	stream.indirect_vreg.gather [hbm4b:s9+s3], $0x80, v4, vm0, $0xb8;
	[tilespmem:$0x10180] =	vst v63  }
0x1a2: {  	s6 =	simm.s32 $0xE180  }
0x1a3: {  	[tilespmem:s6], [sflag:$0x2] =	stream.indirect_vreg.gather [hbm4b:s1+s3], $0x80, v3, vm0, $0xb8;
	[tilespmem:$0x10180] =	vst v63  }
0x1a4: {  	s10 =	simm.s32 $0xE980  }
0x1a5: {  	[tilespmem:s10], [sflag:$0x2] =	stream.indirect_vreg.gather [hbm4b:s7+s3], $0x80, v3, vm0, $0xb8;
	[tilespmem:$0x10180] =	vst v63  }
0x1a6: {  	s30 =	simm.s32 $0xF180  }
0x1a7: {  	[tilespmem:s30], [sflag:$0x2] =	stream.indirect_vreg.gather [hbm4b:s8+s3], $0x80, v3, vm0, $0xb8;
	[tilespmem:$0x10180] =	vst v63  }
0x1a8: {  	s6 =	simm.s32 $0xF980  }
0x1a9: {  	[tilespmem:s6], [sflag:$0x2] =	stream.indirect_vreg.gather [hbm4b:s9+s3], $0x80, v3, vm0, $0xb8;
	[tilespmem:$0x10180] =	vst v63  }
0x1aa: {  	_ =	swait.ge [sflag:s31], $0x8000  }
0x1ab: {  	[sflag:s31] =	ssyncset.done $0x0  }
0x1ac: {  	s10 =	rddreg [dreg:$0xd];
	[sflag:s31] =	ssyncadd.s32 $0xFFFF8000  }
0x1ad: {  	[hbm4b:s10+s3] =	stream.linear.scatter [tilespmem:s21], [sflag:$0x3], $0x8000, $0x38;
	[tilespmem:$0x10180] =	vst v63  }
0x1ae: {  	_ =	swait.ge [sflag:s2], $0x8000  }
0x1af: {  	[sflag:s2] =	ssyncset.done $0x0  }
0x1b0: {  	s30 =	rddreg [dreg:$0xe];
	[sflag:s2] =	ssyncadd.s32 $0xFFFF8000  }
0x1b1: {  	[hbm4b:s30+s3] =	stream.linear.scatter [tilespmem:s12], [sflag:$0x4], $0x8000, $0x38;
	[tilespmem:$0x10180] =	vst v63  }
0x1b2: {  	_ =	swait.ge [sflag:s0], $0x8000  }
.Ltmp3:
0x1b3: {  	[sflag:s0] =	ssyncset.done $0x0;
	(pc) =	sbr.rel .LBB2_3-.Ltmp3, $4  }
0x1b4: {  	[sflag:s0] =	ssyncadd.s32 $0xFFFF8000  }
0x1b5: {  	_ =	swait.ge [sflag:s20], $0x8000  }
0x1b6: {  	[sflag:s20] =	ssyncset.done $0x0  }
0x1b7: {  	[sflag:s20] =	ssyncadd.s32 $0xFFFF8000  }
.LBB2_4:
0x1b8: {  	_ =	sfence.sel $0x180000  }
0x1b9: {  	[bflag:$0x0] =	sbarrier.arrive $0xFFFF  }
0x1ba: {  	_ =	strace $0x90000047  }
0x1bb: {  	s0 =	stileid.u32;
	[bflag:$0x2] =	sbarrier.arrive $0xFFFF  }
0x1bc: {  	p0 =	sne.s32 s0, $0x0;
	s0 =	rddreg [dreg:$0x3]  }
0x1bd: {  	s0 =	sadd.s32 @!p0 $0x100000, s0  }
0x1be: {  	[sflag:s0] =	ssyncadd.tile.s32 @!p0 $0x1;
	_ =	shalt  }
.Lfunc_end2:
_tile_overlayer_lowered:
.L_overlay_start_2:
0x1bf: {  	(tag) =	ssettag $0x2  }
0x1c0: {  	s0 =	rddreg [dreg:$0x0];
	s2 =	stileid.u32  }
0x1c1: {  	s1 =	rddreg [dreg:$0x1];
	p0 =	sne.s32 s2, $0x0  }
0x1c2: {  	s3 =	rddreg [dreg:$0x2];
	[bflag:$0x3] =	sbarrier.arrive $0xFFFF;
	s2 =	simm.s32 @!p0 $0x1C05  }
0x1c3: {  	[timem:s3], [sflag:s2] =	dma.local @!p0 [hbm:s0], s1  }
0x1c4: {  	s0 =	simm.s32 @!p0 $0x5  }
0x1c5: {  	_ =	swait.ge @!p0 [sflag:s0], s1  }
0x1c6: {  	s1 =	ssub.s32 @!p0 $0x0, s1;
	[sflag:s0] =	ssyncset.done @!p0 $0x0  }
0x1c7: {  	[sflag:s0] =	ssyncadd.s32 @!p0 s1  }
0x1c8: {  	[bflag:$0x3] =	sbarrier.arrive $0xFFFF  }
0x1c9: {  	_ =	shalt  }

// kernel: kernel.8.cloned.1.call-start
scs
__scs_entry_jumppad:
0x0: {  	(pc) =	sbr.rel $0x88, $3  }
0x1: {  	(tag) =	ssettag $0x0;
	lr =	simm.s32 $0x1  }
0x2: {  	[smem:$0x3F9D] =	sst lr;
	_ =	strace $0xD0000000  }
0x3: {  	_ = 	snop  }
0x4: {  	_ = 	snop  }
0x5: {  	_ = 	snop  }
0x6: {  	_ = 	snop  }
0x7: {  	_ = 	snop  }
__scs_overlays_trampoline_lowered:
0x8: {  	[smem:$0x3FAC] =	sst s0  }
0x9: {  	[smem:$0x3FAD] =	sst s1  }
0xa: {  	[smem:$0x3FAE] =	sst s2  }
0xb: {  	[smem:$0x3FAF] =	sst s3  }
0xc: {  	[smem:$0x3FB0] =	sst s4  }
0xd: {  	[smem:$0x3FB1] =	sst s5  }
0xe: {  	[smem:$0x3FB2] =	sst s6  }
0xf: {  	[smem:$0x3FB3] =	sst s7  }
0x10: {  	[smem:$0x3FB4] =	sst s8  }
0x11: {  	[smem:$0x3FB5] =	sst s9;
	s0 =	simm.s32 @!p0 $0x0  }
0x12: {  	s1 =	sld [smem:$0x3F9B];
	s0 =	simm.s32 @p0 $0x1  }
0x13: {  	[smem:$0x3FB6] =	sst s0;
	s0 =	simm.s32 @!p1 $0x0  }
0x14: {  	s2 =	sld [smem:$0x3F9A];
	s0 =	simm.s32 @p1 $0x1  }
0x15: {  	[smem:$0x3FB7] =	sst s0;
	s0 =	simm.s32 @!p2 $0x0  }
0x16: {  	s3 =	sld [smem:$0x3FDB];
	s0 =	simm.s32 @p2 $0x1  }
0x17: {  	s4 =	simm.s32 $0x1BF5;
	[smem:$0x3FB9] =	sst s0  }
0x18: {  	s0 =	sld [smem:$0x3F9C];
	_ =	swait.ge [sflag:s4], $0x0  }
0x19: {  	s7 =	sld [smem:$0x3F9D]  }
0x1a: {  	s8 =	sadd.s32 $0xFFFFE003, lr  }
0x1b: {  	s9 =	sadd.s32 $0xFFFFFEF7, lr;
	s5 =	simm.s32 $0xFFFFFFFF;
	p2 =	slt.u32 s8, $0xFFFFF086  }
0x1c: {  	p1 =	slt.u32 s9, $0xF7A;
	s5 =	simm.s32 @!p2 $0x0  }
0x1d: {  	s5 =	simm.s32 @p1 $0x1;
	p0 =	seq.s32 s7, s2  }
0x1e: {  	s7 =	smul.u32 @!p0 $0xF7A, s2;
	p2 =	seq.s32 @!p0 s5, $0x0  }
0x1f: {  	s9 =	smul.u32 $0xF7A, s1;
	s8 =	simm.s32 @!p0 $0x1BF5;
	p2 =	por !p2, p0  }
0x20: {  	[sflag:s8] =	ssyncset.s32 @!p0 $0xFFFFF086;
	s6 =	sadd.s32 @!p0 s3, s7;
	s7 =	simm.s32 @!p0 $0x108  }
0x21: {  	s3 =	sadd.s32 s3, s9;
	s6 =	sadd.s32 @!p0 $0x88, s6;
	s7 =	simm.s32 @p2 $0x1082  }
0x22: {  	[simem:s7], [sflag:s8] =	dma.local @!p0 [hbm:s6], $0xF7A  }
0x23: {  	s9 =	sor.u32 $0xD0000000, s2;
	s6 =	simm.s32 $0x108;
	_ =	swait.ge @!p0 [sflag:s8], $0x0  }
0x24: {  	s3 =	sadd.s32 $0x88, s3;
	s6 =	simm.s32 @!p1 $0x1082;
	[sflag:s4] =	ssyncset.s32 $0xFFFFF086  }
0x25: {  	[simem:s6], [sflag:s4] =	dma.local [hbm:s3], $0xF7A  }
0x26: {  	[smem:$0x3F9D] =	sst s1;
	(tag) =	ssettag s2;
	_ =	strace s9  }
0x27: {  	s1 =	sld [smem:$0x3FAD]  }
0x28: {  	s2 =	sld [smem:$0x3FAE]  }
0x29: {  	s4 =	sld [smem:$0x3FB0]  }
0x2a: {  	p0 =	seq.s32 s5, $0x0;
	s5 =	sld [smem:$0x3FB1]  }
0x2b: {  	s6 =	sld [smem:$0x3FB2]  }
0x2c: {  	s7 =	sld [smem:$0x3FB3]  }
0x2d: {  	s3 =	simm.s32 $0x108;
	s8 =	sld [smem:$0x3FB4]  }
0x2e: {  	s3 =	simm.s32 @!p0 $0x1082;
	s9 =	sld [smem:$0x3FB5]  }
0x2f: {  	lr =	sadd.s32 s0, s3;
	s0 =	sld [smem:$0x3FAC]  }
0x30: {  	s3 =	sld [smem:$0x3FAF]  }
0x31: {  	[smem:$0x3FB8] =	sst s10  }
0x32: {  	s10 =	sld [smem:$0x3FB6];
	_ =	sdelay $0x3  }
0x33: {  	p0 =	seq.s32 s10, $0x1;
	s10 =	sld [smem:$0x3FB8];
	_ =	sdelay $0x3  }
0x34: {  	[smem:$0x3FB8] =	sst s10  }
0x35: {  	s10 =	sld [smem:$0x3FB7];
	_ =	sdelay $0x3  }
0x36: {  	p1 =	seq.s32 s10, $0x1;
	s10 =	sld [smem:$0x3FB8];
	_ =	sdelay $0x3  }
0x37: {  	[smem:$0x3FB8] =	sst s10  }
0x38: {  	s10 =	sld [smem:$0x3FB9]  }
0x39: {  	_ = 	snop;
	(pc) =	sbr.ind lr, $3  }
0x3a: {  	_ = 	snop  }
0x3b: {  	_ = 	snop  }
0x3c: {  	p2 =	seq.s32 s10, $0x1;
	s10 =	sld [smem:$0x3FB8]  }
0x3d: {  	_ =	shalt  }
0x3e: {  	_ =	shalt  }
0x3f: {  	_ =	shalt  }
0x40: {  	_ =	shalt  }
0x41: {  	_ =	shalt  }
0x42: {  	_ =	shalt  }
0x43: {  	_ =	shalt  }
0x44: {  	_ =	shalt  }
0x45: {  	_ =	shalt  }
0x46: {  	_ =	shalt  }
0x47: {  	_ =	shalt  }
0x48: {  	_ =	shalt  }
0x49: {  	_ =	shalt  }
0x4a: {  	_ =	shalt  }
0x4b: {  	_ =	shalt  }
0x4c: {  	_ =	shalt  }
0x4d: {  	_ =	shalt  }
0x4e: {  	_ =	shalt  }
0x4f: {  	_ =	shalt  }
0x50: {  	_ =	shalt  }
0x51: {  	_ =	shalt  }
0x52: {  	_ =	shalt  }
0x53: {  	_ =	shalt  }
0x54: {  	_ =	shalt  }
0x55: {  	_ =	shalt  }
0x56: {  	_ =	shalt  }
0x57: {  	_ =	shalt  }
0x58: {  	_ =	shalt  }
0x59: {  	_ =	shalt  }
0x5a: {  	_ =	shalt  }
0x5b: {  	_ =	shalt  }
0x5c: {  	_ =	shalt  }
0x5d: {  	_ =	shalt  }
0x5e: {  	_ =	shalt  }
0x5f: {  	_ =	shalt  }
0x60: {  	_ =	shalt  }
0x61: {  	_ =	shalt  }
0x62: {  	_ =	shalt  }
0x63: {  	_ =	shalt  }
0x64: {  	_ =	shalt  }
0x65: {  	_ =	shalt  }
0x66: {  	_ =	shalt  }
0x67: {  	_ =	shalt  }
0x68: {  	_ =	shalt  }
0x69: {  	_ =	shalt  }
0x6a: {  	_ =	shalt  }
0x6b: {  	_ =	shalt  }
0x6c: {  	_ =	shalt  }
0x6d: {  	_ =	shalt  }
0x6e: {  	_ =	shalt  }
0x6f: {  	_ =	shalt  }
0x70: {  	_ =	shalt  }
0x71: {  	_ =	shalt  }
0x72: {  	_ =	shalt  }
0x73: {  	_ =	shalt  }
0x74: {  	_ =	shalt  }
0x75: {  	_ =	shalt  }
0x76: {  	_ =	shalt  }
0x77: {  	_ =	shalt  }
0x78: {  	_ =	shalt  }
0x79: {  	_ =	shalt  }
0x7a: {  	_ =	shalt  }
0x7b: {  	_ =	shalt  }
0x7c: {  	_ =	shalt  }
0x7d: {  	_ =	shalt  }
0x7e: {  	_ =	shalt  }
0x7f: {  	_ =	shalt  }
0x80: {  	_ =	shalt  }
0x81: {  	_ =	shalt  }
0x82: {  	_ =	shalt  }
0x83: {  	_ =	shalt  }
0x84: {  	_ =	shalt  }
0x85: {  	_ =	shalt  }
0x86: {  	_ =	shalt  }
0x87: {  	_ =	shalt  }
.Lfunc_end0:
.L_simem_size_0:
called_computation.1_lowered:
.L_overlay_start_0:
0x88: {  	s2 =	sld [smem:$0x3FD9]  }
0x89: {  	s3 =	sld [smem:$0x3FFE];
	_ =	sdelay $0x1  }
0x8a: {  	s1 =	srdreg.scid  }
0x8b: {  	s0 =	sand.u32 $0x1, s1  }
0x8c: {  	s14 =	sshll.u32 s0, $0xA;
	s2 =	sadd.s32 s3, s2  }
0x8d: {  	s2 =	sadd.s32 s2, s14  }
0x8e: {  	[smem:$0x3FC4] =	sst s2  }
0x8f: {  	_ = 	snop  }
0x90: {  	s2 =	sld [smem:$0x3FD0];
	_ =	sdelay $0x2  }
0x91: {  	s15 =	simm.s32 $0xA;
	s4 =	simm.s32 $0x10  }
0x92: {  	[smem:s4], [sflag:s15] =	dma.local [hbm:s2], $0x1  }
0x93: {  	_ =	swait.eq [sflag:s15], $0x1  }
0x94: {  	[sflag:s15] =	ssyncset.done $0x0  }
0x95: {  	[sflag:s15] =	ssyncadd.s32 $0xFFFFFFFF  }
0x96: {  	s16 =	sld [smem:$0x10];
	(tm) =	ssettm $0x1  }
0x97: {  	s17 =	sld [smem:$0x3FFB];
	_ =	sdelay $0x3  }
0x98: {  	_ =	strace s17  }
0x99: {  	s3 =	sld [smem:$0x3FFC];
	_ =	sdelay $0x3  }
0x9a: {  	_ =	strace s3  }
0x9b: {  	s3 =	sld [smem:$0x3FFD];
	_ =	sdelay $0x3  }
0x9c: {  	_ =	strace s3  }
0x9d: {  	_ =	strace $0x8FFFFFFF  }
0x9e: {  	s18 =	sld [smem:$0x3FDB];
	_ =	sdelay $0x1  }
0x9f: {  	s19 =	simm.s32 $_scs_section_size  }
0xa0: {  	s5 =	simm.s32 $_size__tile_overlayer_lowered;
	s6 =	simm.s32 $_tile_overlayer_lowered  }
0xa1: {  	s22 =	simm.s32 $0x1BFF;
	s21 =	sshll.u32 s6, $0x1;
	s3 =	sadd.s32 s19, s18  }
0xa2: {  	s7 =	simm.s32 $0x0;
	s20 =	sshll.u32 s5, $0x1;
	s5 =	sadd.s32 s21, s3  }
0xa3: {  	[timem:s7], [sflag:s22] =	dma.local [hbm:s5], s20  }
0xa4: {  	_ =	swait.ge [sflag:s22], s20  }
0xa5: {  	s4 =	ssub.s32 $0x0, s20;
	[sflag:s22] =	ssyncset.done $0x0  }
0xa6: {  	[sflag:s22] =	ssyncadd.s32 s4;
	_ =	sdelay $0x1  }
0xa7: {  	s23 =	simm.s32 $0x1B8B  }
0xa8: {  	_ =	swait.ge [sflag:s23], $0x1  }
0xa9: {  	[sflag:s23] =	ssyncset.done $0x0  }
0xaa: {  	s25 =	simm.s32 $0x1B8E;
	s24 =	sld [smem:$0x3FFE];
	[sflag:s23] =	ssyncadd.s32 $0xFFFFFFFF  }
0xab: {  	s26 =	simm.s32 $execute0_lowered;
	[smem:$0x3FD2] =	sst s25  }
0xac: {  	s5 =	sshll.u32 s26, $0x1;
	_ =	strace $0x80000049;
	[dreg:$0x1] =	wrdreg $0xFFFFFFFF  }
0xad: {  	s28 =	simm.s32 $_size_execute0_lowered;
	s3 =	sadd.s32 s3, s5;
	[dreg:$0x0] =	wrdreg $0x0  }
0xae: {  	s5 =	sshll.u32 s28, $0x1;
	[dreg:$0x2] =	wrdreg s3  }
0xaf: {  	[dreg:$0x3] =	wrdreg s5  }
0xb0: {  	[dreg:$0x4] =	wrdreg $0xC0  }
0xb1: {  	_ =	task [dreg:s7], $0x5FFFF  }
0xb2: {  	[dreg:$0x1] =	wrdreg $0xFFFFFFFF  }
0xb3: {  	[dreg:$0x0] =	wrdreg $0x60  }
0xb4: {  	[dreg:$0x2] =	wrdreg s24  }
0xb5: {  	[dreg:$0x3] =	wrdreg s16  }
0xb6: {  	[dreg:$0x4] =	wrdreg $0x9  }
0xb7: {  	_ =	task.clear_ibuf [dreg:s7], $0x5FFFF;
	_ =	strace $0x90000049  }
0xb8: {  	s29 =	simm.s32 $0x9;
	_ =	strace $0x8000004B  }
0xb9: {  	_ =	swait.ge [sflag:s29], $0x1  }
0xba: {  	[sflag:s29] =	ssyncadd.s32 $0xFFFFFFFF  }
0xbb: {  	_ =	strace $0x9000004B  }
0xbc: {  	_ =	sfence  }
0xbd: {  	s30 =	sld [smem:$0x0];
	_ =	sdelay $0x2  }
0xbe: {  	s31 =	sshll.u32 s1, $0xD;
	s1 =	sshrl.u32 s1, $0x2  }
0xbf: {  	s3 =	sand.u32 $0x4000, s31;
	s1 =	sadd.s32 s1, s30  }
0xc0: {  	s0 =	sor.u32 s3, s0;
	s1 =	sshll.u32 s1, $0x11  }
0xc1: {  	s0 =	sor.u32 s1, s0  }
0xc2: {  	s0 =	sadd.s32 $0x8F2B, s0  }
0xc3: {  	[sflag:s0] =	ssyncadd.remote.s32 $0x1  }
0xc4: {  	_ =	sfence.sel $0xFFFF  }
0xc5: {  	[dreg:$0x0] =	wrdreg $0xFFFFFFFF;
	(pc) =	sbr.abs _section_cstart, $3  }
0xc6: {  	[dreg:$0x1] =	wrdreg $0xFFFFFFFF  }
0xc7: {  	_ =	task.clear_ibuf [dreg:s7], $0x2FFFF;
	_ =	strace $0x9FFFFFFF  }
0xc8: {  	(tm) =	ssettm $0x7FFFFFFF  }
0xc9: {  	_ =	shalt  }
tec
execute0_lowered:
.L_overlay_start_1:
0x0: {  	(tag) =	ssettag $0x1  }
0x1: {  	s0 =	rddreg [dreg:$0x0];
	s1 =	srdreg.scid  }
0x2: {  	s3 =	simm.s32 $0x0;
	s2 =	stileid.u32;
	s15 =	simm.s32 $0x5  }
0x3: {  	s17 =	simm.s32 $0x1;
	s29 =	simm.s32 $0x3;
	s30 =	simm.s32 $0x2  }
0x4: {  	s31 =	simm.s32 $0x4;
	s10 =	simm.s32 $0x2100;
	s18 =	simm.s32 $0x2900  }
0x5: {  	s11 =	simm.s32 $0x3100;
	s19 =	simm.s32 $0x3900;
	s12 =	simm.s32 $0x4100  }
0x6: {  	s20 =	simm.s32 $0x4900;
	s13 =	simm.s32 $0x5100;
	s21 =	simm.s32 $0x5900  }
0x7: {  	s28 =	simm.s32 $0x8100;
	s1 =	sand.u32 $0x1, s1;
	[smem:$0x7FF] =	sst s3  }
0x8: {  	s2 =	sshll.u32 s2, $0x8;
	s4 =	sadd.s32 $0x101200, s0;
	s7 =	sadd.s32 $0x101400, s0  }
0x9: {  	s9 =	sadd.s32 $0x101500, s0;
	s5 =	sshll.u32 s1, $0x7;
	s1 =	ssub.s32 $0x2, s1  }
0xa: {  	_ =	strace $0x8000004A;
	s16 =	sor.u32 s5, s2;
	s22 =	sshrl.u32 s1, $0x1  }
0xb: {  	s5 =	simm.s32 $0x100;
	s2 =	sshrl.u32 s16, $0x3;
	s6 =	sshll.u32 s16, $0x7  }
0xc: {  	s1 =	ssub.s32 s1, s22;
	[dreg:$0x8] =	wrdreg s16;
	s2 =	sadd.s32 s2, s0  }
0xd: {  	s22 =	simm.s32 $0x6100;
	s8 =	sadd.s32 s6, s0;
	s2 =	sadd.s32 $0x400, s2  }
0xe: {  	s6 =	sadd.s32 $0x101300, s0;
	s23 =	sadd.s32 $0x600, s8;
	[dreg:$0x3] =	wrdreg s2  }
.Ltmp0:
0xf: {  	s24 =	sadd.s32 $0x1600, s8;
	[dreg:$0x4] =	wrdreg s23;
	(pc) =	sbr.rel .LBB2_1-.Ltmp0, $4  }
0x10: {  	s14 =	smax.u32 s1, $0x1;
	s25 =	sadd.s32 $0x2600, s8;
	[dreg:$0x5] =	wrdreg s24  }
0x11: {  	v2 =	vlaneseq.u32;
	s26 =	sadd.s32 $0x3600, s8;
	s8 =	simm.s32 $0x1900;
	[dreg:$0x6] =	wrdreg s25  }
0x12: {  	vm0 =	vmmov $0xffff;
	v1 =	vshrl.u32 v2, $0x3;
	[dreg:$0x7] =	wrdreg s26;
	s2 =	simm.s32 $0x1100;
	s23 =	simm.s32 $0x6900  }
0x13: {  	v0 =	vand.u32 $0x7, v2;
	v2 =	vor.u32 $0x8, v2;
	v1 =	vmul.u32 $0x8, v1;
	s24 =	simm.s32 $0x7100;
	s25 =	simm.s32 $0x7900;
	s26 =	simm.s32 $0x8900  }
.LBB2_3:
0x14: {  	s14 =	sadd.s32 $0xFFFFFFFF, s14  }
0x15: {  	p0 =	sne.s32 s14, $0x0  }
.Ltmp1:
0x16: {  	_ = 	snop;
	(pc) =	sbr.rel @!p0 .LBB2_4-.Ltmp1, $1  }
0x17: {  	_ =	sdelay $0x3  }
.LBB2_1:
0x18: {  	s0 =	rddreg [dreg:$0x1]  }
0x19: {  	[tilespmem:s3], [sflag:$0x5] =	stream.linear.gather [hbm4b:s0+s3], $0x80, $0x38;
	[tilespmem:$0x10100] =	vst v63  }
0x1a: {  	_ =	swait.ge [sflag:s15], $0x80  }
0x1b: {  	[sflag:s15] =	ssyncset.done $0x0  }
0x1c: {  	[sflag:s15] =	ssyncadd.s32 $0xFFFFFF80  }
0x1d: {  	v3 =	vld.msk [tilespmem:$0x0], $0xff;
	_ =	sdelay $0x4  }
0x1e: {  	(v2sf) =	vpush v3, $0x0;
	_ =	sdelay $0xe  }
0x1f: {  	s1 =	spop (v2sf)  }
0x20: {  	p0 =	sge.s32 s16, s1  }
.Ltmp2:
0x21: {  	_ = 	snop;
	(pc) =	sbr.rel @p0 .LBB2_3-.Ltmp2, $1  }
0x22: {  	_ =	sdelay $0x3  }
0x23: {  	s0 =	rddreg [dreg:$0x3];
	s1 =	simm.s32 $0x80  }
0x24: {  	[tilespmem:s1], [sflag:$0x5] =	stream.linear.gather [hbm4b:s0+s3], $0x80, $0x38;
	[tilespmem:$0x10100] =	vst v63  }
0x25: {  	_ =	swait.ge [sflag:s15], $0x80  }
0x26: {  	[sflag:s15] =	ssyncset.done $0x0  }
0x27: {  	[sflag:s15] =	ssyncadd.s32 $0xFFFFFF80  }
0x28: {  	v3 =	vld [tilespmem:$0x80];
	_ =	sdelay $0x4  }
0x29: {  	v4 =	vshll.u32 v3, $0x3  }
0x2a: {  	v3 =	vand.u32 $0x7, v3;
	v4 =	vand.u32 $0xFFFFFFC0, v4  }
0x2b: {  	v3 =	vor.u32 v3, v4  }
0x2c: {  	v4 =	vperm.xlane v3, v0;
	_ =	sdelay $0x1  }
0x2d: {  	v4 =	vadd.s32 v1, v4;
	_ =	sdelay $0x4  }
0x2e: {  	[tilespmem:s5], [sflag:$0x1] =	stream.indirect_vreg.gather [hbm4b:s4+s3], $0x80, v4, vm0, $0xb8;
	[tilespmem:$0x10100] =	vst v63  }
0x2f: {  	s1 =	simm.s32 $0x900;
	v3 =	vperm.xlane v3, v2  }
0x30: {  	[tilespmem:s1], [sflag:$0x1] =	stream.indirect_vreg.gather [hbm4b:s6+s3], $0x80, v4, vm0, $0xb8;
	[tilespmem:$0x10100] =	vst v63  }
0x31: {  	v3 =	vadd.s32 v1, v3  }
0x32: {  	[tilespmem:s2], [sflag:$0x1] =	stream.indirect_vreg.gather [hbm4b:s7+s3], $0x80, v4, vm0, $0xb8;
	[tilespmem:$0x10100] =	vst v63  }
0x33: {  	_ = 	snop  }
0x34: {  	[tilespmem:s8], [sflag:$0x1] =	stream.indirect_vreg.gather [hbm4b:s9+s3], $0x80, v4, vm0, $0xb8;
	[tilespmem:$0x10100] =	vst v63  }
0x35: {  	_ = 	snop  }
0x36: {  	[tilespmem:s10], [sflag:$0x1] =	stream.indirect_vreg.gather [hbm4b:s4+s3], $0x80, v3, vm0, $0xb8;
	[tilespmem:$0x10100] =	vst v63  }
0x37: {  	_ = 	snop  }
0x38: {  	[tilespmem:s18], [sflag:$0x1] =	stream.indirect_vreg.gather [hbm4b:s6+s3], $0x80, v3, vm0, $0xb8;
	[tilespmem:$0x10100] =	vst v63  }
0x39: {  	_ = 	snop  }
0x3a: {  	[tilespmem:s11], [sflag:$0x1] =	stream.indirect_vreg.gather [hbm4b:s7+s3], $0x80, v3, vm0, $0xb8;
	[tilespmem:$0x10100] =	vst v63  }
0x3b: {  	_ = 	snop  }
0x3c: {  	[tilespmem:s19], [sflag:$0x1] =	stream.indirect_vreg.gather [hbm4b:s9+s3], $0x80, v3, vm0, $0xb8;
	[tilespmem:$0x10100] =	vst v63  }
0x3d: {  	v3 =	vld [tilespmem:$0x90];
	_ =	sdelay $0x4  }
0x3e: {  	v57 =	vshll.u32 v3, $0x3  }
0x3f: {  	v3 =	vand.u32 $0x7, v3;
	v4 =	vand.u32 $0xFFFFFFC0, v57  }
0x40: {  	v3 =	vor.u32 v3, v4  }
0x41: {  	v4 =	vperm.xlane v3, v0;
	_ =	sdelay $0x1  }
0x42: {  	v4 =	vadd.s32 v1, v4;
	_ =	sdelay $0x4  }
0x43: {  	[tilespmem:s12], [sflag:$0x1] =	stream.indirect_vreg.gather [hbm4b:s4+s3], $0x80, v4, vm0, $0xb8;
	[tilespmem:$0x10100] =	vst v63  }
0x44: {  	v3 =	vperm.xlane v3, v2  }
0x45: {  	[tilespmem:s20], [sflag:$0x1] =	stream.indirect_vreg.gather [hbm4b:s6+s3], $0x80, v4, vm0, $0xb8;
	[tilespmem:$0x10100] =	vst v63  }
0x46: {  	v3 =	vadd.s32 v1, v3  }
0x47: {  	[tilespmem:s13], [sflag:$0x1] =	stream.indirect_vreg.gather [hbm4b:s7+s3], $0x80, v4, vm0, $0xb8;
	[tilespmem:$0x10100] =	vst v63  }
0x48: {  	_ = 	snop  }
0x49: {  	[tilespmem:s21], [sflag:$0x1] =	stream.indirect_vreg.gather [hbm4b:s9+s3], $0x80, v4, vm0, $0xb8;
	[tilespmem:$0x10100] =	vst v63  }
0x4a: {  	_ = 	snop  }
0x4b: {  	[tilespmem:s22], [sflag:$0x1] =	stream.indirect_vreg.gather [hbm4b:s4+s3], $0x80, v3, vm0, $0xb8;
	[tilespmem:$0x10100] =	vst v63  }
0x4c: {  	_ = 	snop  }
0x4d: {  	[tilespmem:s23], [sflag:$0x1] =	stream.indirect_vreg.gather [hbm4b:s6+s3], $0x80, v3, vm0, $0xb8;
	[tilespmem:$0x10100] =	vst v63  }
0x4e: {  	_ = 	snop  }
0x4f: {  	[tilespmem:s24], [sflag:$0x1] =	stream.indirect_vreg.gather [hbm4b:s7+s3], $0x80, v3, vm0, $0xb8;
	[tilespmem:$0x10100] =	vst v63  }
0x50: {  	_ = 	snop  }
0x51: {  	[tilespmem:s25], [sflag:$0x1] =	stream.indirect_vreg.gather [hbm4b:s9+s3], $0x80, v3, vm0, $0xb8;
	[tilespmem:$0x10100] =	vst v63  }
0x52: {  	v3 =	vld [tilespmem:$0xA0];
	_ =	sdelay $0x4  }
0x53: {  	v58 =	vshll.u32 v3, $0x3  }
0x54: {  	v3 =	vand.u32 $0x7, v3;
	v4 =	vand.u32 $0xFFFFFFC0, v58  }
0x55: {  	v3 =	vor.u32 v3, v4  }
0x56: {  	v4 =	vperm.xlane v3, v0;
	_ =	sdelay $0x1  }
0x57: {  	v4 =	vadd.s32 v1, v4;
	_ =	sdelay $0x4  }
0x58: {  	[tilespmem:s28], [sflag:$0x2] =	stream.indirect_vreg.gather [hbm4b:s4+s3], $0x80, v4, vm0, $0xb8;
	[tilespmem:$0x10100] =	vst v63  }
0x59: {  	v3 =	vperm.xlane v3, v2  }
0x5a: {  	[tilespmem:s26], [sflag:$0x2] =	stream.indirect_vreg.gather [hbm4b:s6+s3], $0x80, v4, vm0, $0xb8;
	[tilespmem:$0x10100] =	vst v63  }
0x5b: {  	s16 =	simm.s32 $0x9100;
	v3 =	vadd.s32 v1, v3  }
0x5c: {  	[tilespmem:s16], [sflag:$0x2] =	stream.indirect_vreg.gather [hbm4b:s7+s3], $0x80, v4, vm0, $0xb8;
	[tilespmem:$0x10100] =	vst v63  }
0x5d: {  	s0 =	simm.s32 $0x9900  }
0x5e: {  	[tilespmem:s0], [sflag:$0x2] =	stream.indirect_vreg.gather [hbm4b:s9+s3], $0x80, v4, vm0, $0xb8;
	[tilespmem:$0x10100] =	vst v63  }
0x5f: {  	s0 =	simm.s32 $0xA100  }
0x60: {  	[tilespmem:s0], [sflag:$0x2] =	stream.indirect_vreg.gather [hbm4b:s4+s3], $0x80, v3, vm0, $0xb8;
	[tilespmem:$0x10100] =	vst v63  }
0x61: {  	s0 =	simm.s32 $0xA900  }
0x62: {  	[tilespmem:s0], [sflag:$0x2] =	stream.indirect_vreg.gather [hbm4b:s6+s3], $0x80, v3, vm0, $0xb8;
	[tilespmem:$0x10100] =	vst v63  }
0x63: {  	s0 =	simm.s32 $0xB100  }
0x64: {  	[tilespmem:s0], [sflag:$0x2] =	stream.indirect_vreg.gather [hbm4b:s7+s3], $0x80, v3, vm0, $0xb8;
	[tilespmem:$0x10100] =	vst v63  }
0x65: {  	s0 =	simm.s32 $0xB900  }
0x66: {  	[tilespmem:s0], [sflag:$0x2] =	stream.indirect_vreg.gather [hbm4b:s9+s3], $0x80, v3, vm0, $0xb8;
	[tilespmem:$0x10100] =	vst v63  }
0x67: {  	v3 =	vld [tilespmem:$0xB0];
	_ =	sdelay $0x4  }
0x68: {  	v59 =	vshll.u32 v3, $0x3  }
0x69: {  	v3 =	vand.u32 $0x7, v3;
	v4 =	vand.u32 $0xFFFFFFC0, v59  }
0x6a: {  	v3 =	vor.u32 v3, v4  }
0x6b: {  	v4 =	vperm.xlane v3, v0;
	_ =	sdelay $0x1  }
0x6c: {  	v4 =	vadd.s32 v1, v4;
	_ =	sdelay $0x3  }
0x6d: {  	s0 =	simm.s32 $0xC100  }
0x6e: {  	[tilespmem:s0], [sflag:$0x2] =	stream.indirect_vreg.gather [hbm4b:s4+s3], $0x80, v4, vm0, $0xb8;
	[tilespmem:$0x10100] =	vst v63  }
0x6f: {  	v3 =	vperm.xlane v3, v2;
	s0 =	simm.s32 $0xC900  }
0x70: {  	[tilespmem:s0], [sflag:$0x2] =	stream.indirect_vreg.gather [hbm4b:s6+s3], $0x80, v4, vm0, $0xb8;
	[tilespmem:$0x10100] =	vst v63  }
0x71: {  	v3 =	vadd.s32 v1, v3;
	s0 =	simm.s32 $0xD100  }
0x72: {  	[tilespmem:s0], [sflag:$0x2] =	stream.indirect_vreg.gather [hbm4b:s7+s3], $0x80, v4, vm0, $0xb8;
	[tilespmem:$0x10100] =	vst v63  }
0x73: {  	s0 =	simm.s32 $0xD900  }
0x74: {  	[tilespmem:s0], [sflag:$0x2] =	stream.indirect_vreg.gather [hbm4b:s9+s3], $0x80, v4, vm0, $0xb8;
	[tilespmem:$0x10100] =	vst v63  }
0x75: {  	s0 =	simm.s32 $0xE100  }
0x76: {  	[tilespmem:s0], [sflag:$0x2] =	stream.indirect_vreg.gather [hbm4b:s4+s3], $0x80, v3, vm0, $0xb8;
	[tilespmem:$0x10100] =	vst v63  }
0x77: {  	s0 =	simm.s32 $0xE900  }
0x78: {  	[tilespmem:s0], [sflag:$0x2] =	stream.indirect_vreg.gather [hbm4b:s6+s3], $0x80, v3, vm0, $0xb8;
	[tilespmem:$0x10100] =	vst v63  }
0x79: {  	s0 =	simm.s32 $0xF100  }
0x7a: {  	[tilespmem:s0], [sflag:$0x2] =	stream.indirect_vreg.gather [hbm4b:s7+s3], $0x80, v3, vm0, $0xb8;
	[tilespmem:$0x10100] =	vst v63  }
0x7b: {  	s0 =	simm.s32 $0xF900  }
0x7c: {  	[tilespmem:s0], [sflag:$0x2] =	stream.indirect_vreg.gather [hbm4b:s9+s3], $0x80, v3, vm0, $0xb8;
	[tilespmem:$0x10100] =	vst v63  }
0x7d: {  	_ =	swait.ge [sflag:s17], $0x8000  }
0x7e: {  	[sflag:s17] =	ssyncset.done $0x0  }
0x7f: {  	s0 =	rddreg [dreg:$0x4];
	[sflag:s17] =	ssyncadd.s32 $0xFFFF8000  }
0x80: {  	[hbm4b:s0+s3] =	stream.linear.scatter [tilespmem:s5], [sflag:$0x3], $0x8000, $0x38;
	[tilespmem:$0x10100] =	vst v63  }
0x81: {  	_ =	swait.ge [sflag:s29], $0x8000  }
0x82: {  	[sflag:s29] =	ssyncset.done $0x0  }
0x83: {  	[sflag:s29] =	ssyncadd.s32 $0xFFFF8000  }
0x84: {  	v3 =	vld [tilespmem:$0xC0];
	_ =	sdelay $0x4  }
0x85: {  	v60 =	vshll.u32 v3, $0x3  }
0x86: {  	v3 =	vand.u32 $0x7, v3;
	v4 =	vand.u32 $0xFFFFFFC0, v60  }
0x87: {  	v3 =	vor.u32 v3, v4  }
0x88: {  	v4 =	vperm.xlane v3, v0;
	_ =	sdelay $0x1  }
0x89: {  	v4 =	vadd.s32 v1, v4;
	_ =	sdelay $0x4  }
0x8a: {  	[tilespmem:s5], [sflag:$0x1] =	stream.indirect_vreg.gather [hbm4b:s4+s3], $0x80, v4, vm0, $0xb8;
	[tilespmem:$0x10100] =	vst v63  }
0x8b: {  	v3 =	vperm.xlane v3, v2  }
0x8c: {  	[tilespmem:s1], [sflag:$0x1] =	stream.indirect_vreg.gather [hbm4b:s6+s3], $0x80, v4, vm0, $0xb8;
	[tilespmem:$0x10100] =	vst v63  }
0x8d: {  	v3 =	vadd.s32 v1, v3  }
0x8e: {  	[tilespmem:s2], [sflag:$0x1] =	stream.indirect_vreg.gather [hbm4b:s7+s3], $0x80, v4, vm0, $0xb8;
	[tilespmem:$0x10100] =	vst v63  }
0x8f: {  	_ = 	snop  }
0x90: {  	[tilespmem:s8], [sflag:$0x1] =	stream.indirect_vreg.gather [hbm4b:s9+s3], $0x80, v4, vm0, $0xb8;
	[tilespmem:$0x10100] =	vst v63  }
0x91: {  	_ = 	snop  }
0x92: {  	[tilespmem:s10], [sflag:$0x1] =	stream.indirect_vreg.gather [hbm4b:s4+s3], $0x80, v3, vm0, $0xb8;
	[tilespmem:$0x10100] =	vst v63  }
0x93: {  	_ = 	snop  }
0x94: {  	[tilespmem:s18], [sflag:$0x1] =	stream.indirect_vreg.gather [hbm4b:s6+s3], $0x80, v3, vm0, $0xb8;
	[tilespmem:$0x10100] =	vst v63  }
0x95: {  	_ = 	snop  }
0x96: {  	[tilespmem:s11], [sflag:$0x1] =	stream.indirect_vreg.gather [hbm4b:s7+s3], $0x80, v3, vm0, $0xb8;
	[tilespmem:$0x10100] =	vst v63  }
0x97: {  	_ = 	snop  }
0x98: {  	[tilespmem:s19], [sflag:$0x1] =	stream.indirect_vreg.gather [hbm4b:s9+s3], $0x80, v3, vm0, $0xb8;
	[tilespmem:$0x10100] =	vst v63  }
0x99: {  	v3 =	vld [tilespmem:$0xD0];
	_ =	sdelay $0x4  }
0x9a: {  	v61 =	vshll.u32 v3, $0x3  }
0x9b: {  	v3 =	vand.u32 $0x7, v3;
	v4 =	vand.u32 $0xFFFFFFC0, v61  }
0x9c: {  	v3 =	vor.u32 v3, v4  }
0x9d: {  	v4 =	vperm.xlane v3, v0;
	_ =	sdelay $0x1  }
0x9e: {  	v4 =	vadd.s32 v1, v4;
	_ =	sdelay $0x4  }
0x9f: {  	[tilespmem:s12], [sflag:$0x1] =	stream.indirect_vreg.gather [hbm4b:s4+s3], $0x80, v4, vm0, $0xb8;
	[tilespmem:$0x10100] =	vst v63  }
0xa0: {  	v3 =	vperm.xlane v3, v2  }
0xa1: {  	[tilespmem:s20], [sflag:$0x1] =	stream.indirect_vreg.gather [hbm4b:s6+s3], $0x80, v4, vm0, $0xb8;
	[tilespmem:$0x10100] =	vst v63  }
0xa2: {  	v3 =	vadd.s32 v1, v3  }
0xa3: {  	[tilespmem:s13], [sflag:$0x1] =	stream.indirect_vreg.gather [hbm4b:s7+s3], $0x80, v4, vm0, $0xb8;
	[tilespmem:$0x10100] =	vst v63  }
0xa4: {  	_ = 	snop  }
0xa5: {  	[tilespmem:s21], [sflag:$0x1] =	stream.indirect_vreg.gather [hbm4b:s9+s3], $0x80, v4, vm0, $0xb8;
	[tilespmem:$0x10100] =	vst v63  }
0xa6: {  	_ = 	snop  }
0xa7: {  	[tilespmem:s22], [sflag:$0x1] =	stream.indirect_vreg.gather [hbm4b:s4+s3], $0x80, v3, vm0, $0xb8;
	[tilespmem:$0x10100] =	vst v63  }
0xa8: {  	_ = 	snop  }
0xa9: {  	[tilespmem:s23], [sflag:$0x1] =	stream.indirect_vreg.gather [hbm4b:s6+s3], $0x80, v3, vm0, $0xb8;
	[tilespmem:$0x10100] =	vst v63  }
0xaa: {  	_ = 	snop  }
0xab: {  	[tilespmem:s24], [sflag:$0x1] =	stream.indirect_vreg.gather [hbm4b:s7+s3], $0x80, v3, vm0, $0xb8;
	[tilespmem:$0x10100] =	vst v63  }
0xac: {  	_ = 	snop  }
0xad: {  	[tilespmem:s25], [sflag:$0x1] =	stream.indirect_vreg.gather [hbm4b:s9+s3], $0x80, v3, vm0, $0xb8;
	[tilespmem:$0x10100] =	vst v63  }
0xae: {  	_ =	swait.ge [sflag:s30], $0x8000  }
0xaf: {  	[sflag:s30] =	ssyncset.done $0x0  }
0xb0: {  	s1 =	rddreg [dreg:$0x5];
	[sflag:s30] =	ssyncadd.s32 $0xFFFF8000  }
0xb1: {  	[hbm4b:s1+s3] =	stream.linear.scatter [tilespmem:s28], [sflag:$0x4], $0x8000, $0x38;
	[tilespmem:$0x10100] =	vst v63  }
0xb2: {  	_ =	swait.ge [sflag:s31], $0x8000  }
0xb3: {  	[sflag:s31] =	ssyncset.done $0x0  }
0xb4: {  	[sflag:s31] =	ssyncadd.s32 $0xFFFF8000  }
0xb5: {  	v3 =	vld [tilespmem:$0xE0];
	_ =	sdelay $0x4  }
0xb6: {  	v62 =	vshll.u32 v3, $0x3  }
0xb7: {  	v3 =	vand.u32 $0x7, v3;
	v4 =	vand.u32 $0xFFFFFFC0, v62  }
0xb8: {  	v3 =	vor.u32 v3, v4  }
0xb9: {  	v4 =	vperm.xlane v3, v0;
	_ =	sdelay $0x1  }
0xba: {  	v4 =	vadd.s32 v1, v4;
	_ =	sdelay $0x4  }
0xbb: {  	[tilespmem:s28], [sflag:$0x2] =	stream.indirect_vreg.gather [hbm4b:s4+s3], $0x80, v4, vm0, $0xb8;
	[tilespmem:$0x10100] =	vst v63  }
0xbc: {  	v3 =	vperm.xlane v3, v2  }
0xbd: {  	[tilespmem:s26], [sflag:$0x2] =	stream.indirect_vreg.gather [hbm4b:s6+s3], $0x80, v4, vm0, $0xb8;
	[tilespmem:$0x10100] =	vst v63  }
0xbe: {  	v3 =	vadd.s32 v1, v3  }
0xbf: {  	[tilespmem:s16], [sflag:$0x2] =	stream.indirect_vreg.gather [hbm4b:s7+s3], $0x80, v4, vm0, $0xb8;
	[tilespmem:$0x10100] =	vst v63  }
0xc0: {  	s1 =	simm.s32 $0x9900  }
0xc1: {  	[tilespmem:s1], [sflag:$0x2] =	stream.indirect_vreg.gather [hbm4b:s9+s3], $0x80, v4, vm0, $0xb8;
	[tilespmem:$0x10100] =	vst v63  }
0xc2: {  	s16 =	simm.s32 $0xA100  }
0xc3: {  	[tilespmem:s16], [sflag:$0x2] =	stream.indirect_vreg.gather [hbm4b:s4+s3], $0x80, v3, vm0, $0xb8;
	[tilespmem:$0x10100] =	vst v63  }
0xc4: {  	s1 =	simm.s32 $0xA900  }
0xc5: {  	[tilespmem:s1], [sflag:$0x2] =	stream.indirect_vreg.gather [hbm4b:s6+s3], $0x80, v3, vm0, $0xb8;
	[tilespmem:$0x10100] =	vst v63  }
0xc6: {  	s16 =	simm.s32 $0xB100  }
0xc7: {  	[tilespmem:s16], [sflag:$0x2] =	stream.indirect_vreg.gather [hbm4b:s7+s3], $0x80, v3, vm0, $0xb8;
	[tilespmem:$0x10100] =	vst v63  }
0xc8: {  	s1 =	simm.s32 $0xB900  }
0xc9: {  	[tilespmem:s1], [sflag:$0x2] =	stream.indirect_vreg.gather [hbm4b:s9+s3], $0x80, v3, vm0, $0xb8;
	[tilespmem:$0x10100] =	vst v63  }
0xca: {  	v3 =	vld [tilespmem:$0xF0];
	_ =	sdelay $0x4  }
0xcb: {  	v63 =	vshll.u32 v3, $0x3  }
0xcc: {  	v3 =	vand.u32 $0x7, v3;
	v4 =	vand.u32 $0xFFFFFFC0, v63  }
0xcd: {  	v3 =	vor.u32 v3, v4  }
0xce: {  	v4 =	vperm.xlane v3, v0;
	_ =	sdelay $0x1  }
0xcf: {  	v4 =	vadd.s32 v1, v4;
	_ =	sdelay $0x3  }
0xd0: {  	s16 =	simm.s32 $0xC100  }
0xd1: {  	[tilespmem:s16], [sflag:$0x2] =	stream.indirect_vreg.gather [hbm4b:s4+s3], $0x80, v4, vm0, $0xb8;
	[tilespmem:$0x10100] =	vst v63  }
0xd2: {  	s1 =	simm.s32 $0xC900;
	v3 =	vperm.xlane v3, v2  }
0xd3: {  	[tilespmem:s1], [sflag:$0x2] =	stream.indirect_vreg.gather [hbm4b:s6+s3], $0x80, v4, vm0, $0xb8;
	[tilespmem:$0x10100] =	vst v63  }
0xd4: {  	v3 =	vadd.s32 v1, v3;
	s16 =	simm.s32 $0xD100  }
0xd5: {  	[tilespmem:s16], [sflag:$0x2] =	stream.indirect_vreg.gather [hbm4b:s7+s3], $0x80, v4, vm0, $0xb8;
	[tilespmem:$0x10100] =	vst v63  }
0xd6: {  	s1 =	simm.s32 $0xD900  }
0xd7: {  	[tilespmem:s1], [sflag:$0x2] =	stream.indirect_vreg.gather [hbm4b:s9+s3], $0x80, v4, vm0, $0xb8;
	[tilespmem:$0x10100] =	vst v63  }
0xd8: {  	s16 =	simm.s32 $0xE100  }
0xd9: {  	[tilespmem:s16], [sflag:$0x2] =	stream.indirect_vreg.gather [hbm4b:s4+s3], $0x80, v3, vm0, $0xb8;
	[tilespmem:$0x10100] =	vst v63  }
0xda: {  	s1 =	simm.s32 $0xE900  }
0xdb: {  	[tilespmem:s1], [sflag:$0x2] =	stream.indirect_vreg.gather [hbm4b:s6+s3], $0x80, v3, vm0, $0xb8;
	[tilespmem:$0x10100] =	vst v63  }
0xdc: {  	s16 =	simm.s32 $0xF100  }
0xdd: {  	[tilespmem:s16], [sflag:$0x2] =	stream.indirect_vreg.gather [hbm4b:s7+s3], $0x80, v3, vm0, $0xb8;
	[tilespmem:$0x10100] =	vst v63  }
0xde: {  	s1 =	simm.s32 $0xF900  }
0xdf: {  	[tilespmem:s1], [sflag:$0x2] =	stream.indirect_vreg.gather [hbm4b:s9+s3], $0x80, v3, vm0, $0xb8;
	[tilespmem:$0x10100] =	vst v63  }
0xe0: {  	_ =	swait.ge [sflag:s17], $0x8000  }
0xe1: {  	[sflag:s17] =	ssyncset.done $0x0  }
0xe2: {  	s16 =	rddreg [dreg:$0x6];
	[sflag:s17] =	ssyncadd.s32 $0xFFFF8000  }
0xe3: {  	[hbm4b:s16+s3] =	stream.linear.scatter [tilespmem:s5], [sflag:$0x3], $0x8000, $0x38;
	[tilespmem:$0x10100] =	vst v63  }
0xe4: {  	s16 =	rddreg [dreg:$0x8];
	_ =	swait.ge [sflag:s30], $0x8000  }
0xe5: {  	[sflag:s30] =	ssyncset.done $0x0  }
0xe6: {  	s1 =	rddreg [dreg:$0x7];
	[sflag:s30] =	ssyncadd.s32 $0xFFFF8000  }
0xe7: {  	[hbm4b:s1+s3] =	stream.linear.scatter [tilespmem:s28], [sflag:$0x4], $0x8000, $0x38;
	[tilespmem:$0x10100] =	vst v63  }
0xe8: {  	_ =	swait.ge [sflag:s29], $0x8000  }
.Ltmp3:
0xe9: {  	[sflag:s29] =	ssyncset.done $0x0;
	(pc) =	sbr.rel .LBB2_3-.Ltmp3, $4  }
0xea: {  	[sflag:s29] =	ssyncadd.s32 $0xFFFF8000  }
0xeb: {  	_ =	swait.ge [sflag:s31], $0x8000  }
0xec: {  	[sflag:s31] =	ssyncset.done $0x0  }
0xed: {  	[sflag:s31] =	ssyncadd.s32 $0xFFFF8000  }
.LBB2_4:
0xee: {  	_ =	sfence.sel $0x180000  }
0xef: {  	[bflag:$0x0] =	sbarrier.arrive $0xFFFF  }
0xf0: {  	_ =	strace $0x9000004A  }
0xf1: {  	s0 =	stileid.u32;
	[bflag:$0x2] =	sbarrier.arrive $0xFFFF  }
0xf2: {  	p0 =	sne.s32 s0, $0x0;
	s0 =	rddreg [dreg:$0x2]  }
0xf3: {  	s0 =	sadd.s32 @!p0 $0x100000, s0  }
0xf4: {  	[sflag:s0] =	ssyncadd.tile.s32 @!p0 $0x1;
	_ =	shalt  }
.Lfunc_end2:
_tile_overlayer_lowered:
.L_overlay_start_2:
0xf5: {  	(tag) =	ssettag $0x2  }
0xf6: {  	s0 =	rddreg [dreg:$0x0];
	s2 =	stileid.u32  }
0xf7: {  	s1 =	rddreg [dreg:$0x1];
	p0 =	sne.s32 s2, $0x0  }
0xf8: {  	s3 =	rddreg [dreg:$0x2];
	[bflag:$0x3] =	sbarrier.arrive $0xFFFF;
	s2 =	simm.s32 @!p0 $0x1C05  }
0xf9: {  	[timem:s3], [sflag:s2] =	dma.local @!p0 [hbm:s0], s1  }
0xfa: {  	s0 =	simm.s32 @!p0 $0x5  }
0xfb: {  	_ =	swait.ge @!p0 [sflag:s0], s1  }
0xfc: {  	s1 =	ssub.s32 @!p0 $0x0, s1;
	[sflag:s0] =	ssyncset.done @!p0 $0x0  }
0xfd: {  	[sflag:s0] =	ssyncadd.s32 @!p0 s1  }
0xfe: {  	[bflag:$0x3] =	sbarrier.arrive $0xFFFF  }
0xff: {  	_ =	shalt  }

</sc_bundles>
